<compile_context>
chip_gen: v7x
topology: tpu7x:2x2x1
jax: 0.10.2.dev20260603
libtpu: 0.0.44.dev20260713+nightly
codegen_flags: <defaults>
</compile_context>

<pallas_src>
import functools

import jax
import jax.numpy as jnp
import numpy as np
from jax import lax
from jax.experimental import pallas as pl
from jax.experimental.pallas import tpu as pltpu
from jax.experimental.pallas import tpu_sc as plsc

N, E, D, H, O, G = 10000, 320000, 128, 128, 128, 64
BN_S = 1.0 / np.sqrt(1.0 + 1e-5)

NC, NS = 2, 16
NW = NC * NS
EPW = E // NW
K = 80
NCH = EPW // K
ZR = 80
NB = N // ZR


def _agg_body(h_hbm, src_hbm, dst_hbm, out_hbm,
              src_v, dst_v, rows_v, zbuf_v, acc_sh, sem):
    c = lax.axis_index("c")
    s = lax.axis_index("s")
    wid = s * NC + c

    def zstore(i, _):
        zbuf_v[i // 8, pl.ds((i % 8) * 16, 16)] = jnp.zeros((16,), jnp.float32)
        return 0
    lax.fori_loop(0, ZR * 8, zstore, 0)

    def zblk(j, _):
        b = s + j * NS

        @pl.when(b < NB)
        def _():
            pltpu.sync_copy(zbuf_v, acc_sh.at[pl.ds(b * ZR, ZR)])
        return 0
    lax.fori_loop(0, (NB + NS - 1) // NS, zblk, 0)
    plsc.subcore_barrier()

    def body(g, _):
        off = wid * EPW + g * K
        pltpu.sync_copy(src_hbm.at[pl.ds(off, K)], src_v)
        pltpu.sync_copy(dst_hbm.at[pl.ds(off, K)], dst_v)
        pltpu.async_copy(h_hbm.at[src_v], rows_v, sem).wait()
        pltpu.sync_copy(rows_v, acc_sh.at[dst_v], add=True)
        return 0
    lax.fori_loop(0, NCH, body, 0)
    plsc.subcore_barrier()

    def wblk(j, _):
        b = s + j * NS

        @pl.when(b < NB)
        def _():
            pltpu.sync_copy(acc_sh.at[pl.ds(b * ZR, ZR)],
                            out_hbm.at[c, pl.ds(b * ZR, ZR)])
        return 0
    lax.fori_loop(0, (NB + NS - 1) // NS, wblk, 0)


_agg_call = functools.partial(
    pl.kernel,
    out_type=jax.ShapeDtypeStruct((NC, N, H), jnp.float32),
    mesh=plsc.VectorSubcoreMesh(core_axis_name="c", subcore_axis_name="s",
                                num_cores=NC, num_subcores=NS),
    scratch_types=[
        pltpu.VMEM((K,), jnp.int32),
        pltpu.VMEM((K,), jnp.int32),
        pltpu.VMEM((K, H), jnp.float32),
        pltpu.VMEM((ZR, H), jnp.float32),
        pltpu.VMEM_SHARED((N, H), jnp.float32),
        pltpu.SemaphoreType.DMA,
    ],
)(_agg_body)


BM = 1000


def _mlp_body(eps_ref, h_ref, parts_ref, W1_ref, b1_ref, g1_ref, be_ref,
              W2_ref, b2_ref, bng_ref, bnb_ref, out_ref):
    z = h_ref[...] * (1.0 + eps_ref[0, 0]) + parts_ref[0] + parts_ref[1]
    t = jnp.dot(z, W1_ref[...], preferred_element_type=jnp.float32) + b1_ref[...]
    t = jnp.maximum(t * (g1_ref[...] * BN_S) + be_ref[...], 0.0)
    y = jnp.dot(t, W2_ref[...], preferred_element_type=jnp.float32) + b2_ref[...]
    out_ref[...] = jnp.maximum(y * (bng_ref[...] * BN_S) + bnb_ref[...], 0.0)


def _mlp_call(eps, h, parts, W1, b1, g1, be, W2, b2, bng, bnb):
    vspec = pl.BlockSpec((1, H), lambda i: (0, 0))
    wspec = pl.BlockSpec((H, H), lambda i: (0, 0))
    return pl.pallas_call(
        _mlp_body,
        grid=(N // BM,),
        in_specs=[
            pl.BlockSpec(memory_space=pltpu.SMEM),
            pl.BlockSpec((BM, H), lambda i: (i, 0)),
            pl.BlockSpec((NC, BM, H), lambda i: (0, i, 0)),
            wspec, vspec, vspec, vspec, wspec, vspec, vspec, vspec,
        ],
        out_specs=pl.BlockSpec((BM, H), lambda i: (i, 0)),
        out_shape=jax.ShapeDtypeStruct((N, H), jnp.float32),
    )(eps.reshape(1, 1), h, parts,
      W1, b1.reshape(1, H), g1.reshape(1, H), be.reshape(1, H),
      W2, b2.reshape(1, H), bng.reshape(1, H), bnb.reshape(1, H))


def _pool_body(batch_ref, h_ref, fW1_ref, fb1_ref, fg_ref, fbe_ref,
               fW2_ref, fb2_ref, out_ref, acc_ref):
    i = pl.program_id(0)

    @pl.when(i == 0)
    def _():
        acc_ref[...] = jnp.zeros((G, H), jnp.float32)

    seg = batch_ref[0]
    onehot = (lax.broadcasted_iota(jnp.int32, (G, BM), 0) == seg).astype(jnp.float32)
    acc_ref[...] += jnp.dot(onehot, h_ref[...], preferred_element_type=jnp.float32)

    @pl.when(i == N // BM - 1)
    def _():
        z = acc_ref[...]
        t = jnp.dot(z, fW1_ref[...], preferred_element_type=jnp.float32) + fb1_ref[...]
        t = jnp.maximum(t * (fg_ref[...] * BN_S) + fbe_ref[...], 0.0)
        out_ref[...] = (jnp.dot(t, fW2_ref[...], preferred_element_type=jnp.float32)
                        + fb2_ref[...])


def _pool_call(batch3d, h, fW1, fb1, fg, fbe, fW2, fb2):
    vspec = pl.BlockSpec((1, H), lambda i: (0, 0))
    return pl.pallas_call(
        _pool_body,
        grid=(N // BM,),
        in_specs=[
            pl.BlockSpec((1, 1, BM), lambda i: (i, 0, 0)),
            pl.BlockSpec((BM, H), lambda i: (i, 0)),
            pl.BlockSpec((H, H), lambda i: (0, 0)),
            vspec, vspec, vspec,
            pl.BlockSpec((H, O), lambda i: (0, 0)),
            pl.BlockSpec((1, O), lambda i: (0, 0)),
        ],
        out_specs=pl.BlockSpec((G, O), lambda i: (0, 0)),
        out_shape=jax.ShapeDtypeStruct((G, O), jnp.float32),
        scratch_shapes=[pltpu.VMEM((G, H), jnp.float32)],
    )(batch3d, h, fW1, fb1.reshape(1, H), fg.reshape(1, H), fbe.reshape(1, H),
      fW2, fb2.reshape(1, O))


def kernel(x, edge_index, batch,
           W1_0, b1_0, g1_0, be1_0, W2_0, b2_0, eps_0, bng_0, bnb_0,
           W1_1, b1_1, g1_1, be1_1, W2_1, b2_1, eps_1, bng_1, bnb_1,
           W1_2, b1_2, g1_2, be1_2, W2_2, b2_2, eps_2, bng_2, bnb_2,
           fW1, fb1, fg, fbe, fW2, fb2):
    src = edge_index[0]
    dst = edge_index[1]
    batch3d = batch.reshape(N // BM, 1, BM)
    layers = [
        (W1_0, b1_0, g1_0, be1_0, W2_0, b2_0, eps_0, bng_0, bnb_0),
        (W1_1, b1_1, g1_1, be1_1, W2_1, b2_1, eps_1, bng_1, bnb_1),
        (W1_2, b1_2, g1_2, be1_2, W2_2, b2_2, eps_2, bng_2, bnb_2),
    ]
    h = x
    for (W1, b1, g1, be, W2, b2, eps, bng, bnb) in layers:
        parts = _agg_call(h, src, dst)
        h = _mlp_call(eps, h, parts, W1, b1, g1, be, W2, b2, bng, bnb)
    return _pool_call(batch3d, h, fW1, fb1, fg, fbe, fW2, fb2)

# --- scband reference (transcript-rebuilt; emitter-appended) ---
"""Pipeline reference for scband-gin-85469849190891 (READ-ONLY COPY).

The authoritative reference and input builder live on the scoring server;
editing this copy changes nothing except your own understanding.
"""

import jax, jax.numpy as jnp
import numpy as np

N, E, D, H, O, G = 10000, 320000, 128, 128, 128, 64
BN_S = 1.0 / np.sqrt(1.0 + 1e-5)

def _mlp(x, W1, b1, g, be, W2, b2):
    x = x @ W1 + b1
    x = x * (g * BN_S) + be
    x = jax.nn.relu(x)
    return x @ W2 + b2

def setup_inputs(seed: int = 0):
    key = jax.random.key(seed)
    ks = jax.random.split(key, 32)
    inp = {}
    inp['x'] = jax.random.normal(ks[0], (N, D), dtype=jnp.float32)
    inp['edge_index'] = jax.random.randint(ks[1], (2, E), 0, N, dtype=jnp.int32)
    inp['batch'] = jnp.sort(jax.random.randint(ks[2], (N,), 0, G, dtype=jnp.int32))
    ki = 3
    dins = [D, H, H]
    for l in range(3):
        inp['W1_%d' % l] = jax.random.normal(ks[ki], (dins[l], H), dtype=jnp.float32) * 0.05; ki += 1
        inp['b1_%d' % l] = jnp.zeros((H,), jnp.float32)
        inp['g1_%d' % l] = jnp.ones((H,), jnp.float32)
        inp['be1_%d' % l] = jnp.zeros((H,), jnp.float32)
        inp['W2_%d' % l] = jax.random.normal(ks[ki], (H, H), dtype=jnp.float32) * 0.05; ki += 1
        inp['b2_%d' % l] = jnp.zeros((H,), jnp.float32)
        inp['eps_%d' % l] = jnp.zeros((), jnp.float32)
        inp['bng_%d' % l] = jnp.ones((H,), jnp.float32)
        inp['bnb_%d' % l] = jnp.zeros((H,), jnp.float32)
    inp['fW1'] = jax.random.normal(ks[ki], (H, H), dtype=jnp.float32) * 0.05; ki += 1
    inp['fb1'] = jnp.zeros((H,), jnp.float32)
    inp['fg'] = jnp.ones((H,), jnp.float32)
    inp['fbe'] = jnp.zeros((H,), jnp.float32)
    inp['fW2'] = jax.random.normal(ks[ki], (H, O), dtype=jnp.float32) * 0.05; ki += 1
    inp['fb2'] = jnp.zeros((O,), jnp.float32)
    return inp

def reference(x, edge_index, batch,
              W1_0, b1_0, g1_0, be1_0, W2_0, b2_0, eps_0, bng_0, bnb_0,
              W1_1, b1_1, g1_1, be1_1, W2_1, b2_1, eps_1, bng_1, bnb_1,
              W1_2, b1_2, g1_2, be1_2, W2_2, b2_2, eps_2, bng_2, bnb_2,
              fW1, fb1, fg, fbe, fW2, fb2):
    p = dict(locals())
    src, dst = edge_index[0], edge_index[1]
    h = x
    for l in range(3):
        agg = jax.ops.segment_sum(h[src], dst, num_segments=N)
        z = (1.0 + p['eps_%d' % l]) * h + agg
        z = _mlp(z, p['W1_%d' % l], p['b1_%d' % l], p['g1_%d' % l], p['be1_%d' % l], p['W2_%d' % l], p['b2_%d' % l])
        z = z * (p['bng_%d' % l] * BN_S) + p['bnb_%d' % l]
        h = jax.nn.relu(z)
    pooled = jax.ops.segment_sum(h, batch, num_segments=G)
    return _mlp(pooled, p['fW1'], p['fb1'], p['fg'], p['fbe'], p['fW2'], p['fb2'])

if __name__ == "__main__":
    import jax
    _d = setup_inputs()
    print(jax.jit(kernel)(*tuple(_d.values())))

</pallas_src>

<mosaic_0001>
#map = affine_map<(d0, d1) -> (0, 0)>
#map1 = affine_map<(d0, d1) -> (0)>
#map2 = affine_map<(d0, d1) -> (0, 0, 0)>
module attributes {stable_mosaic.version = 14 : i64} {
  func.func @_agg_body(%arg0: i32, %arg1: i32, %arg2: memref<10000x128xf32, #tpu.memory_space<hbm>>, %arg3: memref<320000xi32, #tpu.memory_space<hbm>>, %arg4: memref<320000xi32, #tpu.memory_space<hbm>>, %arg5: memref<2x10000x128xf32, #tpu.memory_space<hbm>>, %arg6: memref<80xi32, #tpu.memory_space<vmem>>, %arg7: memref<80xi32, #tpu.memory_space<vmem>>, %arg8: memref<80x128xf32, #tpu.memory_space<vmem>>, %arg9: memref<80x128xf32, #tpu.memory_space<vmem>>, %arg10: memref<10000x128xf32, #tpu.memory_space<vmem_shared>>, %arg11: memref<!tpu.dma_semaphore, #tpu.memory_space<semaphore_mem>>) attributes {dimension_semantics = [#tpu.dimension_semantics<core_parallel>, #tpu.dimension_semantics<subcore_parallel>], iteration_bounds = array<i64: 2, 16>, scalar_prefetch = 0 : i64, scratch_operands = 6 : i64, tpu.core_type = #tpu.core_type<sc_vector_subcore>, window_params = [{transform_indices = #map}, {transform_indices = #map1}, {transform_indices = #map1}, {transform_indices = #map2}]} {
    %mul3A = arith.constant 2 : i32
    %mul3A_0 = arith.muli %arg1, %mul3A : i32
    %add3A = arith.addi %mul3A_0, %arg0 : i32
    %scan3A = arith.constant 0 : i32
    %scan3A_1 = arith.constant 0 : i32
    %scan3A_2 = arith.constant 640 : i32
    %scan3A_3 = arith.addi %scan3A_1, %scan3A_2 : i32
    %scan3A_4 = arith.constant 1 : i32
    %scan3A_5 = scf.for %scan3A_29 = %scan3A_1 to %scan3A_3 step %scan3A_4 iter_args(%scan3A_30 = %scan3A) -> (i32)  : i32 {
      %broadcast_in_dim3A = arith.constant 0.000000e+00 : f32
      %broadcast_in_dim3A_31 = vector.broadcast %broadcast_in_dim3A : f32 to vector<16xf32>
      %jit3A = arith.constant 8 : i32
      %div3A = arith.divsi %scan3A_29, %jit3A : i32
      %sign3A = arith.constant 0 : i32
      %sign3A_32 = arith.cmpi sgt, %scan3A_29, %sign3A : i32
      %sign3A_33 = arith.extui %sign3A_32 : i1 to i32
      %sign3A_34 = arith.constant 0 : i32
      %sign3A_35 = arith.cmpi slt, %scan3A_29, %sign3A_34 : i32
      %sign3A_36 = arith.extui %sign3A_35 : i1 to i32
      %sign3A_37 = arith.subi %sign3A_33, %sign3A_36 : i32
      %sign3A_38 = arith.constant 0 : i32
      %sign3A_39 = arith.cmpi sgt, %jit3A, %sign3A_38 : i32
      %sign3A_40 = arith.extui %sign3A_39 : i1 to i32
      %sign3A_41 = arith.constant 0 : i32
      %sign3A_42 = arith.cmpi slt, %jit3A, %sign3A_41 : i32
      %sign3A_43 = arith.extui %sign3A_42 : i1 to i32
      %sign3A_44 = arith.subi %sign3A_40, %sign3A_43 : i32
      %ne3A = arith.cmpi ne, %sign3A_37, %sign3A_44 : i32
      %rem3A = arith.remsi %scan3A_29, %jit3A : i32
      %ne3A_45 = arith.constant 0 : i32
      %ne3A_46 = arith.cmpi ne, %rem3A, %ne3A_45 : i32
      %and3A = arith.andi %ne3A, %ne3A_46 : i1
      %sub3A = arith.constant 1 : i32
      %sub3A_47 = arith.subi %div3A, %sub3A : i32
      %select_n3A = arith.select %and3A, %sub3A_47, %div3A : i32
      %jit3A_48 = arith.constant 8 : i32
      %eq3A = arith.constant 0 : i32
      %eq3A_49 = arith.cmpi eq, %jit3A_48, %eq3A : i32
      %jit3A_50 = arith.constant 1 : i32
      %select_n3A_51 = arith.select %eq3A_49, %jit3A_50, %jit3A_48 : i32
      %rem3A_52 = arith.remsi %scan3A_29, %select_n3A_51 : i32
      %ne3A_53 = arith.constant 0 : i32
      %ne3A_54 = arith.cmpi ne, %rem3A_52, %ne3A_53 : i32
      %lt3A = arith.constant 0 : i32
      %lt3A_55 = arith.cmpi slt, %rem3A_52, %lt3A : i32
      %lt3A_56 = arith.constant 0 : i32
      %lt3A_57 = arith.cmpi slt, %select_n3A_51, %lt3A_56 : i32
      %ne3A_58 = arith.xori %lt3A_55, %lt3A_57 : i1
      %and3A_59 = arith.andi %ne3A_58, %ne3A_54 : i1
      %add3A_60 = arith.addi %rem3A_52, %select_n3A_51 : i32
      %select_n3A_61 = arith.select %and3A_59, %add3A_60, %rem3A_52 : i32
      %mul3A_62 = arith.constant 16 : i32
      %mul3A_63 = arith.muli %select_n3A_61, %mul3A_62 : i32
      %swap3A = arith.index_cast %select_n3A : i32 to index
      %swap3A_64 = arith.index_cast %mul3A_63 : i32 to index
      %swap3A_65 = tpu.vector_load %arg9[%swap3A, %swap3A_64] {strides = array<i32>} : memref<80x128xf32, #tpu.memory_space<vmem>>, vector<1x16xf32>,
      %swap3A_66 = vector.shape_cast %swap3A_65 : vector<1x16xf32> to vector<16xf32>
      %swap3A_67 = vector.shape_cast %broadcast_in_dim3A_31 : vector<16xf32> to vector<1x16xf32>
      tpu.vector_store %arg9[%swap3A, %swap3A_64], %swap3A_67 {strides = array<i32>} : memref<80x128xf32, #tpu.memory_space<vmem>>, vector<1x16xf32>,
      %scan3A_68 = arith.constant 0 : i32
      scf.yield %scan3A_68 : i32
    }
    %scan3A_6 = arith.constant 640 : i32
    %scan3A_7 = arith.constant 0 : i32
    %scan3A_8 = arith.constant 0 : i32
    %scan3A_9 = arith.constant 8 : i32
    %scan3A_10 = arith.addi %scan3A_8, %scan3A_9 : i32
    %scan3A_11 = arith.constant 1 : i32
    %scan3A_12 = scf.for %scan3A_29 = %scan3A_8 to %scan3A_10 step %scan3A_11 iter_args(%scan3A_30 = %scan3A_7) -> (i32)  : i32 {
      %mul3A_31 = arith.constant 16 : i32
      %mul3A_32 = arith.muli %scan3A_29, %mul3A_31 : i32
      %add3A_33 = arith.addi %arg1, %mul3A_32 : i32
      %lt3A = arith.constant 125 : i32
      %lt3A_34 = arith.cmpi slt, %add3A_33, %lt3A : i32
      %convert_element_type3A = arith.extui %lt3A_34 : i1 to i32
      %cond3A = arith.constant 0 : i32
      %cond3A_35 = arith.cmpi ne, %convert_element_type3A, %cond3A : i32
      scf.if %cond3A_35 {
        %mul3A_37 = arith.constant 80 : i32
        %mul3A_38 = arith.muli %add3A_33, %mul3A_37 : i32
        "tpu.region"() ({
          %run_scoped3A = tpu.sem_alloc : memref<!tpu.dma_semaphore, #tpu.memory_space<semaphore_mem>>
          %dma_start3A = arith.constant 0 : i32
          %dma_start3A_39 = tpu.memref_slice %arg10[%mul3A_38, %dma_start3A] : memref<10000x128xf32, #tpu.memory_space<vmem_shared>> -> memref<80x128xf32, #tpu.memory_space<vmem_shared>>
          %dma_start3A_40 = arith.constant 0 : i32
          %dma_start3A_41 = tpu.memref_slice %arg10[%mul3A_38, %dma_start3A_40] : memref<10000x128xf32, #tpu.memory_space<vmem_shared>> -> memref<80x128xf32, #tpu.memory_space<vmem_shared>>
          tpu.enqueue_dma source(%arg9 : memref<80x128xf32, #tpu.memory_space<vmem>>) target(%dma_start3A_41 : memref<80x128xf32, #tpu.memory_space<vmem_shared>>) target_semaphore(%run_scoped3A : memref<!tpu.dma_semaphore, #tpu.memory_space<semaphore_mem>>)
          %dma_wait3A = arith.constant 0 : i32
          %dma_wait3A_42 = tpu.memref_slice %arg10[%mul3A_38, %dma_wait3A] : memref<10000x128xf32, #tpu.memory_space<vmem_shared>> -> memref<80x128xf32, #tpu.memory_space<vmem_shared>>
          %dma_wait3A_43 = arith.constant 0 : i32
          %dma_wait3A_44 = tpu.memref_slice %arg10[%mul3A_38, %dma_wait3A_43] : memref<10000x128xf32, #tpu.memory_space<vmem_shared>> -> memref<80x128xf32, #tpu.memory_space<vmem_shared>>
          tpu.wait_dma2 semaphore(%run_scoped3A : memref<!tpu.dma_semaphore, #tpu.memory_space<semaphore_mem>>) src(%arg9 : memref<80x128xf32, #tpu.memory_space<vmem>>) dst(%dma_wait3A_44 : memref<80x128xf32, #tpu.memory_space<vmem_shared>>)
          tpu.yield
        }) : () -> ()
      } else {
      }
      %scan3A_36 = arith.constant 0 : i32
      scf.yield %scan3A_36 : i32
    }
    %scan3A_13 = arith.constant 8 : i32
    %barrier3A = arith.constant 0 : index
    tpu.barrier barrier_id(%barrier3A)
    %scan3A_14 = arith.constant 0 : i32
    %scan3A_15 = arith.constant 0 : i32
    %scan3A_16 = arith.constant 125 : i32
    %scan3A_17 = arith.addi %scan3A_15, %scan3A_16 : i32
    %scan3A_18 = arith.constant 1 : i32
    %scan3A_19 = scf.for %scan3A_29 = %scan3A_15 to %scan3A_17 step %scan3A_18 iter_args(%scan3A_30 = %scan3A_14) -> (i32)  : i32 {
      %mul3A_31 = arith.constant 10000 : i32
      %mul3A_32 = arith.muli %add3A, %mul3A_31 : i32
      %mul3A_33 = arith.constant 80 : i32
      %mul3A_34 = arith.muli %scan3A_29, %mul3A_33 : i32
      %add3A_35 = arith.addi %mul3A_32, %mul3A_34 : i32
      "tpu.region"() ({
        %run_scoped3A = tpu.sem_alloc : memref<!tpu.dma_semaphore, #tpu.memory_space<semaphore_mem>>
        %dma_start3A_41 = tpu.memref_slice %arg3[%add3A_35] : memref<320000xi32, #tpu.memory_space<hbm>> -> memref<80xi32, #tpu.memory_space<hbm>>
        %dma_start3A_42 = tpu.memref_slice %arg3[%add3A_35] : memref<320000xi32, #tpu.memory_space<hbm>> -> memref<80xi32, #tpu.memory_space<hbm>>
        tpu.enqueue_dma source(%dma_start3A_42 : memref<80xi32, #tpu.memory_space<hbm>>) target(%arg6 : memref<80xi32, #tpu.memory_space<vmem>>) target_semaphore(%run_scoped3A : memref<!tpu.dma_semaphore, #tpu.memory_space<semaphore_mem>>)
        %dma_wait3A_43 = tpu.memref_slice %arg3[%add3A_35] : memref<320000xi32, #tpu.memory_space<hbm>> -> memref<80xi32, #tpu.memory_space<hbm>>
        %dma_wait3A_44 = tpu.memref_slice %arg3[%add3A_35] : memref<320000xi32, #tpu.memory_space<hbm>> -> memref<80xi32, #tpu.memory_space<hbm>>
        tpu.wait_dma2 semaphore(%run_scoped3A : memref<!tpu.dma_semaphore, #tpu.memory_space<semaphore_mem>>) src(%dma_wait3A_44 : memref<80xi32, #tpu.memory_space<hbm>>) dst(%arg6 : memref<80xi32, #tpu.memory_space<vmem>>)
        tpu.yield
      }) : () -> ()
      "tpu.region"() ({
        %run_scoped3A = tpu.sem_alloc : memref<!tpu.dma_semaphore, #tpu.memory_space<semaphore_mem>>
        %dma_start3A_41 = tpu.memref_slice %arg4[%add3A_35] : memref<320000xi32, #tpu.memory_space<hbm>> -> memref<80xi32, #tpu.memory_space<hbm>>
        %dma_start3A_42 = tpu.memref_slice %arg4[%add3A_35] : memref<320000xi32, #tpu.memory_space<hbm>> -> memref<80xi32, #tpu.memory_space<hbm>>
        tpu.enqueue_dma source(%dma_start3A_42 : memref<80xi32, #tpu.memory_space<hbm>>) target(%arg7 : memref<80xi32, #tpu.memory_space<vmem>>) target_semaphore(%run_scoped3A : memref<!tpu.dma_semaphore, #tpu.memory_space<semaphore_mem>>)
        %dma_wait3A_43 = tpu.memref_slice %arg4[%add3A_35] : memref<320000xi32, #tpu.memory_space<hbm>> -> memref<80xi32, #tpu.memory_space<hbm>>
        %dma_wait3A_44 = tpu.memref_slice %arg4[%add3A_35] : memref<320000xi32, #tpu.memory_space<hbm>> -> memref<80xi32, #tpu.memory_space<hbm>>
        tpu.wait_dma2 semaphore(%run_scoped3A : memref<!tpu.dma_semaphore, #tpu.memory_space<semaphore_mem>>) src(%dma_wait3A_44 : memref<80xi32, #tpu.memory_space<hbm>>) dst(%arg7 : memref<80xi32, #tpu.memory_space<vmem>>)
        tpu.yield
      }) : () -> ()
      %dma_start3A = arith.constant 0 : i32
      %dma_start3A_36 = arith.constant 0 : i32
      %dma_start3A_37 = tpu.memref_slice %arg2[%dma_start3A, %dma_start3A_36] : memref<10000x128xf32, #tpu.memory_space<hbm>> -> memref<10000x128xf32, #tpu.memory_space<hbm>>
      tpu.enqueue_indirect_dma source(%dma_start3A_37 : memref<10000x128xf32, #tpu.memory_space<hbm>>) target(%arg8 : memref<80x128xf32, #tpu.memory_space<vmem>>) offsets(%arg6 : memref<80xi32, #tpu.memory_space<vmem>>) semaphore(%arg11 : memref<!tpu.dma_semaphore, #tpu.memory_space<semaphore_mem>>)
      %dma_wait3A = arith.constant 0 : i32
      %dma_wait3A_38 = arith.constant 0 : i32
      %dma_wait3A_39 = tpu.memref_slice %arg2[%dma_wait3A, %dma_wait3A_38] : memref<10000x128xf32, #tpu.memory_space<hbm>> -> memref<10000x128xf32, #tpu.memory_space<hbm>>
      tpu.wait_indirect_dma semaphore(%arg11 : memref<!tpu.dma_semaphore, #tpu.memory_space<semaphore_mem>>) src(%dma_wait3A_39 : memref<10000x128xf32, #tpu.memory_space<hbm>>) dst(%arg8 : memref<80x128xf32, #tpu.memory_space<vmem>>)
      "tpu.region"() ({
        %run_scoped3A = tpu.sem_alloc : memref<!tpu.dma_semaphore, #tpu.memory_space<semaphore_mem>>
        %dma_start3A_41 = arith.constant 0 : i32
        %dma_start3A_42 = arith.constant 0 : i32
        %dma_start3A_43 = tpu.memref_slice %arg10[%dma_start3A_41, %dma_start3A_42] : memref<10000x128xf32, #tpu.memory_space<vmem_shared>> -> memref<10000x128xf32, #tpu.memory_space<vmem_shared>>
        tpu.enqueue_indirect_dma source(%arg8 : memref<80x128xf32, #tpu.memory_space<vmem>>) target(%dma_start3A_43 : memref<10000x128xf32, #tpu.memory_space<vmem_shared>>) offsets(%arg7 : memref<80xi32, #tpu.memory_space<vmem>>) semaphore(%run_scoped3A : memref<!tpu.dma_semaphore, #tpu.memory_space<semaphore_mem>>) {add = true}
        %dma_wait3A_44 = arith.constant 0 : i32
        %dma_wait3A_45 = arith.constant 0 : i32
        %dma_wait3A_46 = tpu.memref_slice %arg10[%dma_wait3A_44, %dma_wait3A_45] : memref<10000x128xf32, #tpu.memory_space<vmem_shared>> -> memref<10000x128xf32, #tpu.memory_space<vmem_shared>>
        tpu.wait_indirect_dma semaphore(%run_scoped3A : memref<!tpu.dma_semaphore, #tpu.memory_space<semaphore_mem>>) src(%arg8 : memref<80x128xf32, #tpu.memory_space<vmem>>) dst(%dma_wait3A_46 : memref<10000x128xf32, #tpu.memory_space<vmem_shared>>)
        tpu.yield
      }) : () -> ()
      %scan3A_40 = arith.constant 0 : i32
      scf.yield %scan3A_40 : i32
    }
    %scan3A_20 = arith.constant 125 : i32
    %barrier3A_21 = arith.constant 0 : index
    tpu.barrier barrier_id(%barrier3A_21)
    %scan3A_22 = arith.constant 0 : i32
    %scan3A_23 = arith.constant 0 : i32
    %scan3A_24 = arith.constant 8 : i32
    %scan3A_25 = arith.addi %scan3A_23, %scan3A_24 : i32
    %scan3A_26 = arith.constant 1 : i32
    %scan3A_27 = scf.for %scan3A_29 = %scan3A_23 to %scan3A_25 step %scan3A_26 iter_args(%scan3A_30 = %scan3A_22) -> (i32)  : i32 {
      %mul3A_31 = arith.constant 16 : i32
      %mul3A_32 = arith.muli %scan3A_29, %mul3A_31 : i32
      %add3A_33 = arith.addi %arg1, %mul3A_32 : i32
      %lt3A = arith.constant 125 : i32
      %lt3A_34 = arith.cmpi slt, %add3A_33, %lt3A : i32
      %convert_element_type3A = arith.extui %lt3A_34 : i1 to i32
      %cond3A = arith.constant 0 : i32
      %cond3A_35 = arith.cmpi ne, %convert_element_type3A, %cond3A : i32
      scf.if %cond3A_35 {
        %mul3A_37 = arith.constant 80 : i32
        %mul3A_38 = arith.muli %add3A_33, %mul3A_37 : i32
        %mul3A_39 = arith.constant 80 : i32
        %mul3A_40 = arith.muli %add3A_33, %mul3A_39 : i32
        "tpu.region"() ({
          %run_scoped3A = tpu.sem_alloc : memref<!tpu.dma_semaphore, #tpu.memory_space<semaphore_mem>>
          %dma_start3A = arith.constant 0 : i32
          %dma_start3A_41 = tpu.memref_slice %arg5[%arg0, %mul3A_40, %dma_start3A] : memref<2x10000x128xf32, #tpu.memory_space<hbm>> -> memref<1x80x128xf32, #tpu.memory_space<hbm>>
          %dma_start3A_42 = tpu.memref_squeeze %dma_start3A_41 : memref<1x80x128xf32, #tpu.memory_space<hbm>> -> memref<80x128xf32, #tpu.memory_space<hbm>>
          %dma_start3A_43 = arith.constant 0 : i32
          %dma_start3A_44 = tpu.memref_slice %arg10[%mul3A_38, %dma_start3A_43] : memref<10000x128xf32, #tpu.memory_space<vmem_shared>> -> memref<80x128xf32, #tpu.memory_space<vmem_shared>>
          tpu.enqueue_dma source(%dma_start3A_44 : memref<80x128xf32, #tpu.memory_space<vmem_shared>>) target(%dma_start3A_42 : memref<80x128xf32, #tpu.memory_space<hbm>>) target_semaphore(%run_scoped3A : memref<!tpu.dma_semaphore, #tpu.memory_space<semaphore_mem>>)
          %dma_wait3A = arith.constant 0 : i32
          %dma_wait3A_45 = tpu.memref_slice %arg5[%arg0, %mul3A_40, %dma_wait3A] : memref<2x10000x128xf32, #tpu.memory_space<hbm>> -> memref<1x80x128xf32, #tpu.memory_space<hbm>>
          %dma_wait3A_46 = tpu.memref_squeeze %dma_wait3A_45 : memref<1x80x128xf32, #tpu.memory_space<hbm>> -> memref<80x128xf32, #tpu.memory_space<hbm>>
          %dma_wait3A_47 = arith.constant 0 : i32
          %dma_wait3A_48 = tpu.memref_slice %arg10[%mul3A_38, %dma_wait3A_47] : memref<10000x128xf32, #tpu.memory_space<vmem_shared>> -> memref<80x128xf32, #tpu.memory_space<vmem_shared>>
          tpu.wait_dma2 semaphore(%run_scoped3A : memref<!tpu.dma_semaphore, #tpu.memory_space<semaphore_mem>>) src(%dma_wait3A_48 : memref<80x128xf32, #tpu.memory_space<vmem_shared>>) dst(%dma_wait3A_46 : memref<80x128xf32, #tpu.memory_space<hbm>>)
          tpu.yield
        }) : () -> ()
      } else {
      }
      %scan3A_36 = arith.constant 0 : i32
      scf.yield %scan3A_36 : i32
    }
    %scan3A_28 = arith.constant 8 : i32
    return
  }
}

#map = affine_map<(d0, d1) -> (0, 0)>
#map1 = affine_map<(d0, d1) -> (0)>
#map2 = affine_map<(d0, d1) -> (0, 0, 0)>
module attributes {stable_mosaic.version = 14 : i64} {
  func.func @_agg_body(%arg0: i32, %arg1: i32, %arg2: memref<10000x128xf32, #tpu.memory_space<hbm>>, %arg3: memref<320000xi32, #tpu.memory_space<hbm>>, %arg4: memref<320000xi32, #tpu.memory_space<hbm>>, %arg5: memref<2x10000x128xf32, #tpu.memory_space<hbm>>, %arg6: memref<80xi32, #tpu.memory_space<vmem>>, %arg7: memref<80xi32, #tpu.memory_space<vmem>>, %arg8: memref<80x128xf32, #tpu.memory_space<vmem>>, %arg9: memref<80x128xf32, #tpu.memory_space<vmem>>, %arg10: memref<10000x128xf32, #tpu.memory_space<vmem_shared>>, %arg11: memref<!tpu.dma_semaphore, #tpu.memory_space<semaphore_mem>>) attributes {dimension_semantics = [#tpu.dimension_semantics<core_parallel>, #tpu.dimension_semantics<subcore_parallel>], iteration_bounds = array<i64: 2, 16>, scalar_prefetch = 0 : i64, scratch_operands = 6 : i64, tpu.core_type = #tpu.core_type<sc_vector_subcore>, window_params = [{transform_indices = #map}, {transform_indices = #map1}, {transform_indices = #map1}, {transform_indices = #map2}]} {
    %mul3A = arith.constant 2 : i32
    %mul3A_0 = arith.muli %arg1, %mul3A : i32
    %add3A = arith.addi %mul3A_0, %arg0 : i32
    %scan3A = arith.constant 0 : i32
    %scan3A_1 = arith.constant 0 : i32
    %scan3A_2 = arith.constant 640 : i32
    %scan3A_3 = arith.addi %scan3A_1, %scan3A_2 : i32
    %scan3A_4 = arith.constant 1 : i32
    %scan3A_5 = scf.for %scan3A_29 = %scan3A_1 to %scan3A_3 step %scan3A_4 iter_args(%scan3A_30 = %scan3A) -> (i32)  : i32 {
      %broadcast_in_dim3A = arith.constant 0.000000e+00 : f32
      %broadcast_in_dim3A_31 = vector.broadcast %broadcast_in_dim3A : f32 to vector<16xf32>
      %jit3A = arith.constant 8 : i32
      %div3A = arith.divsi %scan3A_29, %jit3A : i32
      %sign3A = arith.constant 0 : i32
      %sign3A_32 = arith.cmpi sgt, %scan3A_29, %sign3A : i32
      %sign3A_33 = arith.extui %sign3A_32 : i1 to i32
      %sign3A_34 = arith.constant 0 : i32
      %sign3A_35 = arith.cmpi slt, %scan3A_29, %sign3A_34 : i32
      %sign3A_36 = arith.extui %sign3A_35 : i1 to i32
      %sign3A_37 = arith.subi %sign3A_33, %sign3A_36 : i32
      %sign3A_38 = arith.constant 0 : i32
      %sign3A_39 = arith.cmpi sgt, %jit3A, %sign3A_38 : i32
      %sign3A_40 = arith.extui %sign3A_39 : i1 to i32
      %sign3A_41 = arith.constant 0 : i32
      %sign3A_42 = arith.cmpi slt, %jit3A, %sign3A_41 : i32
      %sign3A_43 = arith.extui %sign3A_42 : i1 to i32
      %sign3A_44 = arith.subi %sign3A_40, %sign3A_43 : i32
      %ne3A = arith.cmpi ne, %sign3A_37, %sign3A_44 : i32
      %rem3A = arith.remsi %scan3A_29, %jit3A : i32
      %ne3A_45 = arith.constant 0 : i32
      %ne3A_46 = arith.cmpi ne, %rem3A, %ne3A_45 : i32
      %and3A = arith.andi %ne3A, %ne3A_46 : i1
      %sub3A = arith.constant 1 : i32
      %sub3A_47 = arith.subi %div3A, %sub3A : i32
      %select_n3A = arith.select %and3A, %sub3A_47, %div3A : i32
      %jit3A_48 = arith.constant 8 : i32
      %eq3A = arith.constant 0 : i32
      %eq3A_49 = arith.cmpi eq, %jit3A_48, %eq3A : i32
      %jit3A_50 = arith.constant 1 : i32
      %select_n3A_51 = arith.select %eq3A_49, %jit3A_50, %jit3A_48 : i32
      %rem3A_52 = arith.remsi %scan3A_29, %select_n3A_51 : i32
      %ne3A_53 = arith.constant 0 : i32
      %ne3A_54 = arith.cmpi ne, %rem3A_52, %ne3A_53 : i32
      %lt3A = arith.constant 0 : i32
      %lt3A_55 = arith.cmpi slt, %rem3A_52, %lt3A : i32
      %lt3A_56 = arith.constant 0 : i32
      %lt3A_57 = arith.cmpi slt, %select_n3A_51, %lt3A_56 : i32
      %ne3A_58 = arith.xori %lt3A_55, %lt3A_57 : i1
      %and3A_59 = arith.andi %ne3A_58, %ne3A_54 : i1
      %add3A_60 = arith.addi %rem3A_52, %select_n3A_51 : i32
      %select_n3A_61 = arith.select %and3A_59, %add3A_60, %rem3A_52 : i32
      %mul3A_62 = arith.constant 16 : i32
      %mul3A_63 = arith.muli %select_n3A_61, %mul3A_62 : i32
      %swap3A = arith.index_cast %select_n3A : i32 to index
      %swap3A_64 = arith.index_cast %mul3A_63 : i32 to index
      %swap3A_65 = tpu.vector_load %arg9[%swap3A, %swap3A_64] {strides = array<i32>} : memref<80x128xf32, #tpu.memory_space<vmem>>, vector<1x16xf32>,
      %swap3A_66 = vector.shape_cast %swap3A_65 : vector<1x16xf32> to vector<16xf32>
      %swap3A_67 = vector.shape_cast %broadcast_in_dim3A_31 : vector<16xf32> to vector<1x16xf32>
      tpu.vector_store %arg9[%swap3A, %swap3A_64], %swap3A_67 {strides = array<i32>} : memref<80x128xf32, #tpu.memory_space<vmem>>, vector<1x16xf32>,
      %scan3A_68 = arith.constant 0 : i32
      scf.yield %scan3A_68 : i32
    }
    %scan3A_6 = arith.constant 640 : i32
    %scan3A_7 = arith.constant 0 : i32
    %scan3A_8 = arith.constant 0 : i32
    %scan3A_9 = arith.constant 8 : i32
    %scan3A_10 = arith.addi %scan3A_8, %scan3A_9 : i32
    %scan3A_11 = arith.constant 1 : i32
    %scan3A_12 = scf.for %scan3A_29 = %scan3A_8 to %scan3A_10 step %scan3A_11 iter_args(%scan3A_30 = %scan3A_7) -> (i32)  : i32 {
      %mul3A_31 = arith.constant 16 : i32
      %mul3A_32 = arith.muli %scan3A_29, %mul3A_31 : i32
      %add3A_33 = arith.addi %arg1, %mul3A_32 : i32
      %lt3A = arith.constant 125 : i32
      %lt3A_34 = arith.cmpi slt, %add3A_33, %lt3A : i32
      %convert_element_type3A = arith.extui %lt3A_34 : i1 to i32
      %cond3A = arith.constant 0 : i32
      %cond3A_35 = arith.cmpi ne, %convert_element_type3A, %cond3A : i32
      scf.if %cond3A_35 {
        %mul3A_37 = arith.constant 80 : i32
        %mul3A_38 = arith.muli %add3A_33, %mul3A_37 : i32
        "tpu.region"() ({
          %run_scoped3A = tpu.sem_alloc : memref<!tpu.dma_semaphore, #tpu.memory_space<semaphore_mem>>
          %dma_start3A = arith.constant 0 : i32
          %dma_start3A_39 = tpu.memref_slice %arg10[%mul3A_38, %dma_start3A] : memref<10000x128xf32, #tpu.memory_space<vmem_shared>> -> memref<80x128xf32, #tpu.memory_space<vmem_shared>>
          %dma_start3A_40 = arith.constant 0 : i32
          %dma_start3A_41 = tpu.memref_slice %arg10[%mul3A_38, %dma_start3A_40] : memref<10000x128xf32, #tpu.memory_space<vmem_shared>> -> memref<80x128xf32, #tpu.memory_space<vmem_shared>>
          tpu.enqueue_dma source(%arg9 : memref<80x128xf32, #tpu.memory_space<vmem>>) target(%dma_start3A_41 : memref<80x128xf32, #tpu.memory_space<vmem_shared>>) target_semaphore(%run_scoped3A : memref<!tpu.dma_semaphore, #tpu.memory_space<semaphore_mem>>)
          %dma_wait3A = arith.constant 0 : i32
          %dma_wait3A_42 = tpu.memref_slice %arg10[%mul3A_38, %dma_wait3A] : memref<10000x128xf32, #tpu.memory_space<vmem_shared>> -> memref<80x128xf32, #tpu.memory_space<vmem_shared>>
          %dma_wait3A_43 = arith.constant 0 : i32
          %dma_wait3A_44 = tpu.memref_slice %arg10[%mul3A_38, %dma_wait3A_43] : memref<10000x128xf32, #tpu.memory_space<vmem_shared>> -> memref<80x128xf32, #tpu.memory_space<vmem_shared>>
          tpu.wait_dma2 semaphore(%run_scoped3A : memref<!tpu.dma_semaphore, #tpu.memory_space<semaphore_mem>>) src(%arg9 : memref<80x128xf32, #tpu.memory_space<vmem>>) dst(%dma_wait3A_44 : memref<80x128xf32, #tpu.memory_space<vmem_shared>>)
          tpu.yield
        }) : () -> ()
      } else {
      }
      %scan3A_36 = arith.constant 0 : i32
      scf.yield %scan3A_36 : i32
    }
    %scan3A_13 = arith.constant 8 : i32
    %barrier3A = arith.constant 0 : index
    tpu.barrier barrier_id(%barrier3A)
    %scan3A_14 = arith.constant 0 : i32
    %scan3A_15 = arith.constant 0 : i32
    %scan3A_16 = arith.constant 125 : i32
    %scan3A_17 = arith.addi %scan3A_15, %scan3A_16 : i32
    %scan3A_18 = arith.constant 1 : i32
    %scan3A_19 = scf.for %scan3A_29 = %scan3A_15 to %scan3A_17 step %scan3A_18 iter_args(%scan3A_30 = %scan3A_14) -> (i32)  : i32 {
      %mul3A_31 = arith.constant 10000 : i32
      %mul3A_32 = arith.muli %add3A, %mul3A_31 : i32
      %mul3A_33 = arith.constant 80 : i32
      %mul3A_34 = arith.muli %scan3A_29, %mul3A_33 : i32
      %add3A_35 = arith.addi %mul3A_32, %mul3A_34 : i32
      "tpu.region"() ({
        %run_scoped3A = tpu.sem_alloc : memref<!tpu.dma_semaphore, #tpu.memory_space<semaphore_mem>>
        %dma_start3A_41 = tpu.memref_slice %arg3[%add3A_35] : memref<320000xi32, #tpu.memory_space<hbm>> -> memref<80xi32, #tpu.memory_space<hbm>>
        %dma_start3A_42 = tpu.memref_slice %arg3[%add3A_35] : memref<320000xi32, #tpu.memory_space<hbm>> -> memref<80xi32, #tpu.memory_space<hbm>>
        tpu.enqueue_dma source(%dma_start3A_42 : memref<80xi32, #tpu.memory_space<hbm>>) target(%arg6 : memref<80xi32, #tpu.memory_space<vmem>>) target_semaphore(%run_scoped3A : memref<!tpu.dma_semaphore, #tpu.memory_space<semaphore_mem>>)
        %dma_wait3A_43 = tpu.memref_slice %arg3[%add3A_35] : memref<320000xi32, #tpu.memory_space<hbm>> -> memref<80xi32, #tpu.memory_space<hbm>>
        %dma_wait3A_44 = tpu.memref_slice %arg3[%add3A_35] : memref<320000xi32, #tpu.memory_space<hbm>> -> memref<80xi32, #tpu.memory_space<hbm>>
        tpu.wait_dma2 semaphore(%run_scoped3A : memref<!tpu.dma_semaphore, #tpu.memory_space<semaphore_mem>>) src(%dma_wait3A_44 : memref<80xi32, #tpu.memory_space<hbm>>) dst(%arg6 : memref<80xi32, #tpu.memory_space<vmem>>)
        tpu.yield
      }) : () -> ()
      "tpu.region"() ({
        %run_scoped3A = tpu.sem_alloc : memref<!tpu.dma_semaphore, #tpu.memory_space<semaphore_mem>>
        %dma_start3A_41 = tpu.memref_slice %arg4[%add3A_35] : memref<320000xi32, #tpu.memory_space<hbm>> -> memref<80xi32, #tpu.memory_space<hbm>>
        %dma_start3A_42 = tpu.memref_slice %arg4[%add3A_35] : memref<320000xi32, #tpu.memory_space<hbm>> -> memref<80xi32, #tpu.memory_space<hbm>>
        tpu.enqueue_dma source(%dma_start3A_42 : memref<80xi32, #tpu.memory_space<hbm>>) target(%arg7 : memref<80xi32, #tpu.memory_space<vmem>>) target_semaphore(%run_scoped3A : memref<!tpu.dma_semaphore, #tpu.memory_space<semaphore_mem>>)
        %dma_wait3A_43 = tpu.memref_slice %arg4[%add3A_35] : memref<320000xi32, #tpu.memory_space<hbm>> -> memref<80xi32, #tpu.memory_space<hbm>>
        %dma_wait3A_44 = tpu.memref_slice %arg4[%add3A_35] : memref<320000xi32, #tpu.memory_space<hbm>> -> memref<80xi32, #tpu.memory_space<hbm>>
        tpu.wait_dma2 semaphore(%run_scoped3A : memref<!tpu.dma_semaphore, #tpu.memory_space<semaphore_mem>>) src(%dma_wait3A_44 : memref<80xi32, #tpu.memory_space<hbm>>) dst(%arg7 : memref<80xi32, #tpu.memory_space<vmem>>)
        tpu.yield
      }) : () -> ()
      %dma_start3A = arith.constant 0 : i32
      %dma_start3A_36 = arith.constant 0 : i32
      %dma_start3A_37 = tpu.memref_slice %arg2[%dma_start3A, %dma_start3A_36] : memref<10000x128xf32, #tpu.memory_space<hbm>> -> memref<10000x128xf32, #tpu.memory_space<hbm>>
      tpu.enqueue_indirect_dma source(%dma_start3A_37 : memref<10000x128xf32, #tpu.memory_space<hbm>>) target(%arg8 : memref<80x128xf32, #tpu.memory_space<vmem>>) offsets(%arg6 : memref<80xi32, #tpu.memory_space<vmem>>) semaphore(%arg11 : memref<!tpu.dma_semaphore, #tpu.memory_space<semaphore_mem>>)
      %dma_wait3A = arith.constant 0 : i32
      %dma_wait3A_38 = arith.constant 0 : i32
      %dma_wait3A_39 = tpu.memref_slice %arg2[%dma_wait3A, %dma_wait3A_38] : memref<10000x128xf32, #tpu.memory_space<hbm>> -> memref<10000x128xf32, #tpu.memory_space<hbm>>
      tpu.wait_indirect_dma semaphore(%arg11 : memref<!tpu.dma_semaphore, #tpu.memory_space<semaphore_mem>>) src(%dma_wait3A_39 : memref<10000x128xf32, #tpu.memory_space<hbm>>) dst(%arg8 : memref<80x128xf32, #tpu.memory_space<vmem>>)
      "tpu.region"() ({
        %run_scoped3A = tpu.sem_alloc : memref<!tpu.dma_semaphore, #tpu.memory_space<semaphore_mem>>
        %dma_start3A_41 = arith.constant 0 : i32
        %dma_start3A_42 = arith.constant 0 : i32
        %dma_start3A_43 = tpu.memref_slice %arg10[%dma_start3A_41, %dma_start3A_42] : memref<10000x128xf32, #tpu.memory_space<vmem_shared>> -> memref<10000x128xf32, #tpu.memory_space<vmem_shared>>
        tpu.enqueue_indirect_dma source(%arg8 : memref<80x128xf32, #tpu.memory_space<vmem>>) target(%dma_start3A_43 : memref<10000x128xf32, #tpu.memory_space<vmem_shared>>) offsets(%arg7 : memref<80xi32, #tpu.memory_space<vmem>>) semaphore(%run_scoped3A : memref<!tpu.dma_semaphore, #tpu.memory_space<semaphore_mem>>) {add = true}
        %dma_wait3A_44 = arith.constant 0 : i32
        %dma_wait3A_45 = arith.constant 0 : i32
        %dma_wait3A_46 = tpu.memref_slice %arg10[%dma_wait3A_44, %dma_wait3A_45] : memref<10000x128xf32, #tpu.memory_space<vmem_shared>> -> memref<10000x128xf32, #tpu.memory_space<vmem_shared>>
        tpu.wait_indirect_dma semaphore(%run_scoped3A : memref<!tpu.dma_semaphore, #tpu.memory_space<semaphore_mem>>) src(%arg8 : memref<80x128xf32, #tpu.memory_space<vmem>>) dst(%dma_wait3A_46 : memref<10000x128xf32, #tpu.memory_space<vmem_shared>>)
        tpu.yield
      }) : () -> ()
      %scan3A_40 = arith.constant 0 : i32
      scf.yield %scan3A_40 : i32
    }
    %scan3A_20 = arith.constant 125 : i32
    %barrier3A_21 = arith.constant 0 : index
    tpu.barrier barrier_id(%barrier3A_21)
    %scan3A_22 = arith.constant 0 : i32
    %scan3A_23 = arith.constant 0 : i32
    %scan3A_24 = arith.constant 8 : i32
    %scan3A_25 = arith.addi %scan3A_23, %scan3A_24 : i32
    %scan3A_26 = arith.constant 1 : i32
    %scan3A_27 = scf.for %scan3A_29 = %scan3A_23 to %scan3A_25 step %scan3A_26 iter_args(%scan3A_30 = %scan3A_22) -> (i32)  : i32 {
      %mul3A_31 = arith.constant 16 : i32
      %mul3A_32 = arith.muli %scan3A_29, %mul3A_31 : i32
      %add3A_33 = arith.addi %arg1, %mul3A_32 : i32
      %lt3A = arith.constant 125 : i32
      %lt3A_34 = arith.cmpi slt, %add3A_33, %lt3A : i32
      %convert_element_type3A = arith.extui %lt3A_34 : i1 to i32
      %cond3A = arith.constant 0 : i32
      %cond3A_35 = arith.cmpi ne, %convert_element_type3A, %cond3A : i32
      scf.if %cond3A_35 {
        %mul3A_37 = arith.constant 80 : i32
        %mul3A_38 = arith.muli %add3A_33, %mul3A_37 : i32
        %mul3A_39 = arith.constant 80 : i32
        %mul3A_40 = arith.muli %add3A_33, %mul3A_39 : i32
        "tpu.region"() ({
          %run_scoped3A = tpu.sem_alloc : memref<!tpu.dma_semaphore, #tpu.memory_space<semaphore_mem>>
          %dma_start3A = arith.constant 0 : i32
          %dma_start3A_41 = tpu.memref_slice %arg5[%arg0, %mul3A_40, %dma_start3A] : memref<2x10000x128xf32, #tpu.memory_space<hbm>> -> memref<1x80x128xf32, #tpu.memory_space<hbm>>
          %dma_start3A_42 = tpu.memref_squeeze %dma_start3A_41 : memref<1x80x128xf32, #tpu.memory_space<hbm>> -> memref<80x128xf32, #tpu.memory_space<hbm>>
          %dma_start3A_43 = arith.constant 0 : i32
          %dma_start3A_44 = tpu.memref_slice %arg10[%mul3A_38, %dma_start3A_43] : memref<10000x128xf32, #tpu.memory_space<vmem_shared>> -> memref<80x128xf32, #tpu.memory_space<vmem_shared>>
          tpu.enqueue_dma source(%dma_start3A_44 : memref<80x128xf32, #tpu.memory_space<vmem_shared>>) target(%dma_start3A_42 : memref<80x128xf32, #tpu.memory_space<hbm>>) target_semaphore(%run_scoped3A : memref<!tpu.dma_semaphore, #tpu.memory_space<semaphore_mem>>)
          %dma_wait3A = arith.constant 0 : i32
          %dma_wait3A_45 = tpu.memref_slice %arg5[%arg0, %mul3A_40, %dma_wait3A] : memref<2x10000x128xf32, #tpu.memory_space<hbm>> -> memref<1x80x128xf32, #tpu.memory_space<hbm>>
          %dma_wait3A_46 = tpu.memref_squeeze %dma_wait3A_45 : memref<1x80x128xf32, #tpu.memory_space<hbm>> -> memref<80x128xf32, #tpu.memory_space<hbm>>
          %dma_wait3A_47 = arith.constant 0 : i32
          %dma_wait3A_48 = tpu.memref_slice %arg10[%mul3A_38, %dma_wait3A_47] : memref<10000x128xf32, #tpu.memory_space<vmem_shared>> -> memref<80x128xf32, #tpu.memory_space<vmem_shared>>
          tpu.wait_dma2 semaphore(%run_scoped3A : memref<!tpu.dma_semaphore, #tpu.memory_space<semaphore_mem>>) src(%dma_wait3A_48 : memref<80x128xf32, #tpu.memory_space<vmem_shared>>) dst(%dma_wait3A_46 : memref<80x128xf32, #tpu.memory_space<hbm>>)
          tpu.yield
        }) : () -> ()
      } else {
      }
      %scan3A_36 = arith.constant 0 : i32
      scf.yield %scan3A_36 : i32
    }
    %scan3A_28 = arith.constant 8 : i32
    return
  }
}

#map = affine_map<(d0, d1) -> (0, 0)>
#map1 = affine_map<(d0, d1) -> (0)>
#map2 = affine_map<(d0, d1) -> (0, 0, 0)>
module attributes {stable_mosaic.version = 14 : i64} {
  func.func @_agg_body(%arg0: i32, %arg1: i32, %arg2: memref<10000x128xf32, #tpu.memory_space<hbm>>, %arg3: memref<320000xi32, #tpu.memory_space<hbm>>, %arg4: memref<320000xi32, #tpu.memory_space<hbm>>, %arg5: memref<2x10000x128xf32, #tpu.memory_space<hbm>>, %arg6: memref<80xi32, #tpu.memory_space<vmem>>, %arg7: memref<80xi32, #tpu.memory_space<vmem>>, %arg8: memref<80x128xf32, #tpu.memory_space<vmem>>, %arg9: memref<80x128xf32, #tpu.memory_space<vmem>>, %arg10: memref<10000x128xf32, #tpu.memory_space<vmem_shared>>, %arg11: memref<!tpu.dma_semaphore, #tpu.memory_space<semaphore_mem>>) attributes {dimension_semantics = [#tpu.dimension_semantics<core_parallel>, #tpu.dimension_semantics<subcore_parallel>], iteration_bounds = array<i64: 2, 16>, scalar_prefetch = 0 : i64, scratch_operands = 6 : i64, tpu.core_type = #tpu.core_type<sc_vector_subcore>, window_params = [{transform_indices = #map}, {transform_indices = #map1}, {transform_indices = #map1}, {transform_indices = #map2}]} {
    %mul3A = arith.constant 2 : i32
    %mul3A_0 = arith.muli %arg1, %mul3A : i32
    %add3A = arith.addi %mul3A_0, %arg0 : i32
    %scan3A = arith.constant 0 : i32
    %scan3A_1 = arith.constant 0 : i32
    %scan3A_2 = arith.constant 640 : i32
    %scan3A_3 = arith.addi %scan3A_1, %scan3A_2 : i32
    %scan3A_4 = arith.constant 1 : i32
    %scan3A_5 = scf.for %scan3A_29 = %scan3A_1 to %scan3A_3 step %scan3A_4 iter_args(%scan3A_30 = %scan3A) -> (i32)  : i32 {
      %broadcast_in_dim3A = arith.constant 0.000000e+00 : f32
      %broadcast_in_dim3A_31 = vector.broadcast %broadcast_in_dim3A : f32 to vector<16xf32>
      %jit3A = arith.constant 8 : i32
      %div3A = arith.divsi %scan3A_29, %jit3A : i32
      %sign3A = arith.constant 0 : i32
      %sign3A_32 = arith.cmpi sgt, %scan3A_29, %sign3A : i32
      %sign3A_33 = arith.extui %sign3A_32 : i1 to i32
      %sign3A_34 = arith.constant 0 : i32
      %sign3A_35 = arith.cmpi slt, %scan3A_29, %sign3A_34 : i32
      %sign3A_36 = arith.extui %sign3A_35 : i1 to i32
      %sign3A_37 = arith.subi %sign3A_33, %sign3A_36 : i32
      %sign3A_38 = arith.constant 0 : i32
      %sign3A_39 = arith.cmpi sgt, %jit3A, %sign3A_38 : i32
      %sign3A_40 = arith.extui %sign3A_39 : i1 to i32
      %sign3A_41 = arith.constant 0 : i32
      %sign3A_42 = arith.cmpi slt, %jit3A, %sign3A_41 : i32
      %sign3A_43 = arith.extui %sign3A_42 : i1 to i32
      %sign3A_44 = arith.subi %sign3A_40, %sign3A_43 : i32
      %ne3A = arith.cmpi ne, %sign3A_37, %sign3A_44 : i32
      %rem3A = arith.remsi %scan3A_29, %jit3A : i32
      %ne3A_45 = arith.constant 0 : i32
      %ne3A_46 = arith.cmpi ne, %rem3A, %ne3A_45 : i32
      %and3A = arith.andi %ne3A, %ne3A_46 : i1
      %sub3A = arith.constant 1 : i32
      %sub3A_47 = arith.subi %div3A, %sub3A : i32
      %select_n3A = arith.select %and3A, %sub3A_47, %div3A : i32
      %jit3A_48 = arith.constant 8 : i32
      %eq3A = arith.constant 0 : i32
      %eq3A_49 = arith.cmpi eq, %jit3A_48, %eq3A : i32
      %jit3A_50 = arith.constant 1 : i32
      %select_n3A_51 = arith.select %eq3A_49, %jit3A_50, %jit3A_48 : i32
      %rem3A_52 = arith.remsi %scan3A_29, %select_n3A_51 : i32
      %ne3A_53 = arith.constant 0 : i32
      %ne3A_54 = arith.cmpi ne, %rem3A_52, %ne3A_53 : i32
      %lt3A = arith.constant 0 : i32
      %lt3A_55 = arith.cmpi slt, %rem3A_52, %lt3A : i32
      %lt3A_56 = arith.constant 0 : i32
      %lt3A_57 = arith.cmpi slt, %select_n3A_51, %lt3A_56 : i32
      %ne3A_58 = arith.xori %lt3A_55, %lt3A_57 : i1
      %and3A_59 = arith.andi %ne3A_58, %ne3A_54 : i1
      %add3A_60 = arith.addi %rem3A_52, %select_n3A_51 : i32
      %select_n3A_61 = arith.select %and3A_59, %add3A_60, %rem3A_52 : i32
      %mul3A_62 = arith.constant 16 : i32
      %mul3A_63 = arith.muli %select_n3A_61, %mul3A_62 : i32
      %swap3A = arith.index_cast %select_n3A : i32 to index
      %swap3A_64 = arith.index_cast %mul3A_63 : i32 to index
      %swap3A_65 = tpu.vector_load %arg9[%swap3A, %swap3A_64] {strides = array<i32>} : memref<80x128xf32, #tpu.memory_space<vmem>>, vector<1x16xf32>,
      %swap3A_66 = vector.shape_cast %swap3A_65 : vector<1x16xf32> to vector<16xf32>
      %swap3A_67 = vector.shape_cast %broadcast_in_dim3A_31 : vector<16xf32> to vector<1x16xf32>
      tpu.vector_store %arg9[%swap3A, %swap3A_64], %swap3A_67 {strides = array<i32>} : memref<80x128xf32, #tpu.memory_space<vmem>>, vector<1x16xf32>,
      %scan3A_68 = arith.constant 0 : i32
      scf.yield %scan3A_68 : i32
    }
    %scan3A_6 = arith.constant 640 : i32
    %scan3A_7 = arith.constant 0 : i32
    %scan3A_8 = arith.constant 0 : i32
    %scan3A_9 = arith.constant 8 : i32
    %scan3A_10 = arith.addi %scan3A_8, %scan3A_9 : i32
    %scan3A_11 = arith.constant 1 : i32
    %scan3A_12 = scf.for %scan3A_29 = %scan3A_8 to %scan3A_10 step %scan3A_11 iter_args(%scan3A_30 = %scan3A_7) -> (i32)  : i32 {
      %mul3A_31 = arith.constant 16 : i32
      %mul3A_32 = arith.muli %scan3A_29, %mul3A_31 : i32
      %add3A_33 = arith.addi %arg1, %mul3A_32 : i32
      %lt3A = arith.constant 125 : i32
      %lt3A_34 = arith.cmpi slt, %add3A_33, %lt3A : i32
      %convert_element_type3A = arith.extui %lt3A_34 : i1 to i32
      %cond3A = arith.constant 0 : i32
      %cond3A_35 = arith.cmpi ne, %convert_element_type3A, %cond3A : i32
      scf.if %cond3A_35 {
        %mul3A_37 = arith.constant 80 : i32
        %mul3A_38 = arith.muli %add3A_33, %mul3A_37 : i32
        "tpu.region"() ({
          %run_scoped3A = tpu.sem_alloc : memref<!tpu.dma_semaphore, #tpu.memory_space<semaphore_mem>>
          %dma_start3A = arith.constant 0 : i32
          %dma_start3A_39 = tpu.memref_slice %arg10[%mul3A_38, %dma_start3A] : memref<10000x128xf32, #tpu.memory_space<vmem_shared>> -> memref<80x128xf32, #tpu.memory_space<vmem_shared>>
          %dma_start3A_40 = arith.constant 0 : i32
          %dma_start3A_41 = tpu.memref_slice %arg10[%mul3A_38, %dma_start3A_40] : memref<10000x128xf32, #tpu.memory_space<vmem_shared>> -> memref<80x128xf32, #tpu.memory_space<vmem_shared>>
          tpu.enqueue_dma source(%arg9 : memref<80x128xf32, #tpu.memory_space<vmem>>) target(%dma_start3A_41 : memref<80x128xf32, #tpu.memory_space<vmem_shared>>) target_semaphore(%run_scoped3A : memref<!tpu.dma_semaphore, #tpu.memory_space<semaphore_mem>>)
          %dma_wait3A = arith.constant 0 : i32
          %dma_wait3A_42 = tpu.memref_slice %arg10[%mul3A_38, %dma_wait3A] : memref<10000x128xf32, #tpu.memory_space<vmem_shared>> -> memref<80x128xf32, #tpu.memory_space<vmem_shared>>
          %dma_wait3A_43 = arith.constant 0 : i32
          %dma_wait3A_44 = tpu.memref_slice %arg10[%mul3A_38, %dma_wait3A_43] : memref<10000x128xf32, #tpu.memory_space<vmem_shared>> -> memref<80x128xf32, #tpu.memory_space<vmem_shared>>
          tpu.wait_dma2 semaphore(%run_scoped3A : memref<!tpu.dma_semaphore, #tpu.memory_space<semaphore_mem>>) src(%arg9 : memref<80x128xf32, #tpu.memory_space<vmem>>) dst(%dma_wait3A_44 : memref<80x128xf32, #tpu.memory_space<vmem_shared>>)
          tpu.yield
        }) : () -> ()
      } else {
      }
      %scan3A_36 = arith.constant 0 : i32
      scf.yield %scan3A_36 : i32
    }
    %scan3A_13 = arith.constant 8 : i32
    %barrier3A = arith.constant 0 : index
    tpu.barrier barrier_id(%barrier3A)
    %scan3A_14 = arith.constant 0 : i32
    %scan3A_15 = arith.constant 0 : i32
    %scan3A_16 = arith.constant 125 : i32
    %scan3A_17 = arith.addi %scan3A_15, %scan3A_16 : i32
    %scan3A_18 = arith.constant 1 : i32
    %scan3A_19 = scf.for %scan3A_29 = %scan3A_15 to %scan3A_17 step %scan3A_18 iter_args(%scan3A_30 = %scan3A_14) -> (i32)  : i32 {
      %mul3A_31 = arith.constant 10000 : i32
      %mul3A_32 = arith.muli %add3A, %mul3A_31 : i32
      %mul3A_33 = arith.constant 80 : i32
      %mul3A_34 = arith.muli %scan3A_29, %mul3A_33 : i32
      %add3A_35 = arith.addi %mul3A_32, %mul3A_34 : i32
      "tpu.region"() ({
        %run_scoped3A = tpu.sem_alloc : memref<!tpu.dma_semaphore, #tpu.memory_space<semaphore_mem>>
        %dma_start3A_41 = tpu.memref_slice %arg3[%add3A_35] : memref<320000xi32, #tpu.memory_space<hbm>> -> memref<80xi32, #tpu.memory_space<hbm>>
        %dma_start3A_42 = tpu.memref_slice %arg3[%add3A_35] : memref<320000xi32, #tpu.memory_space<hbm>> -> memref<80xi32, #tpu.memory_space<hbm>>
        tpu.enqueue_dma source(%dma_start3A_42 : memref<80xi32, #tpu.memory_space<hbm>>) target(%arg6 : memref<80xi32, #tpu.memory_space<vmem>>) target_semaphore(%run_scoped3A : memref<!tpu.dma_semaphore, #tpu.memory_space<semaphore_mem>>)
        %dma_wait3A_43 = tpu.memref_slice %arg3[%add3A_35] : memref<320000xi32, #tpu.memory_space<hbm>> -> memref<80xi32, #tpu.memory_space<hbm>>
        %dma_wait3A_44 = tpu.memref_slice %arg3[%add3A_35] : memref<320000xi32, #tpu.memory_space<hbm>> -> memref<80xi32, #tpu.memory_space<hbm>>
        tpu.wait_dma2 semaphore(%run_scoped3A : memref<!tpu.dma_semaphore, #tpu.memory_space<semaphore_mem>>) src(%dma_wait3A_44 : memref<80xi32, #tpu.memory_space<hbm>>) dst(%arg6 : memref<80xi32, #tpu.memory_space<vmem>>)
        tpu.yield
      }) : () -> ()
      "tpu.region"() ({
        %run_scoped3A = tpu.sem_alloc : memref<!tpu.dma_semaphore, #tpu.memory_space<semaphore_mem>>
        %dma_start3A_41 = tpu.memref_slice %arg4[%add3A_35] : memref<320000xi32, #tpu.memory_space<hbm>> -> memref<80xi32, #tpu.memory_space<hbm>>
        %dma_start3A_42 = tpu.memref_slice %arg4[%add3A_35] : memref<320000xi32, #tpu.memory_space<hbm>> -> memref<80xi32, #tpu.memory_space<hbm>>
        tpu.enqueue_dma source(%dma_start3A_42 : memref<80xi32, #tpu.memory_space<hbm>>) target(%arg7 : memref<80xi32, #tpu.memory_space<vmem>>) target_semaphore(%run_scoped3A : memref<!tpu.dma_semaphore, #tpu.memory_space<semaphore_mem>>)
        %dma_wait3A_43 = tpu.memref_slice %arg4[%add3A_35] : memref<320000xi32, #tpu.memory_space<hbm>> -> memref<80xi32, #tpu.memory_space<hbm>>
        %dma_wait3A_44 = tpu.memref_slice %arg4[%add3A_35] : memref<320000xi32, #tpu.memory_space<hbm>> -> memref<80xi32, #tpu.memory_space<hbm>>
        tpu.wait_dma2 semaphore(%run_scoped3A : memref<!tpu.dma_semaphore, #tpu.memory_space<semaphore_mem>>) src(%dma_wait3A_44 : memref<80xi32, #tpu.memory_space<hbm>>) dst(%arg7 : memref<80xi32, #tpu.memory_space<vmem>>)
        tpu.yield
      }) : () -> ()
      %dma_start3A = arith.constant 0 : i32
      %dma_start3A_36 = arith.constant 0 : i32
      %dma_start3A_37 = tpu.memref_slice %arg2[%dma_start3A, %dma_start3A_36] : memref<10000x128xf32, #tpu.memory_space<hbm>> -> memref<10000x128xf32, #tpu.memory_space<hbm>>
      tpu.enqueue_indirect_dma source(%dma_start3A_37 : memref<10000x128xf32, #tpu.memory_space<hbm>>) target(%arg8 : memref<80x128xf32, #tpu.memory_space<vmem>>) offsets(%arg6 : memref<80xi32, #tpu.memory_space<vmem>>) semaphore(%arg11 : memref<!tpu.dma_semaphore, #tpu.memory_space<semaphore_mem>>)
      %dma_wait3A = arith.constant 0 : i32
      %dma_wait3A_38 = arith.constant 0 : i32
      %dma_wait3A_39 = tpu.memref_slice %arg2[%dma_wait3A, %dma_wait3A_38] : memref<10000x128xf32, #tpu.memory_space<hbm>> -> memref<10000x128xf32, #tpu.memory_space<hbm>>
      tpu.wait_indirect_dma semaphore(%arg11 : memref<!tpu.dma_semaphore, #tpu.memory_space<semaphore_mem>>) src(%dma_wait3A_39 : memref<10000x128xf32, #tpu.memory_space<hbm>>) dst(%arg8 : memref<80x128xf32, #tpu.memory_space<vmem>>)
      "tpu.region"() ({
        %run_scoped3A = tpu.sem_alloc : memref<!tpu.dma_semaphore, #tpu.memory_space<semaphore_mem>>
        %dma_start3A_41 = arith.constant 0 : i32
        %dma_start3A_42 = arith.constant 0 : i32
        %dma_start3A_43 = tpu.memref_slice %arg10[%dma_start3A_41, %dma_start3A_42] : memref<10000x128xf32, #tpu.memory_space<vmem_shared>> -> memref<10000x128xf32, #tpu.memory_space<vmem_shared>>
        tpu.enqueue_indirect_dma source(%arg8 : memref<80x128xf32, #tpu.memory_space<vmem>>) target(%dma_start3A_43 : memref<10000x128xf32, #tpu.memory_space<vmem_shared>>) offsets(%arg7 : memref<80xi32, #tpu.memory_space<vmem>>) semaphore(%run_scoped3A : memref<!tpu.dma_semaphore, #tpu.memory_space<semaphore_mem>>) {add = true}
        %dma_wait3A_44 = arith.constant 0 : i32
        %dma_wait3A_45 = arith.constant 0 : i32
        %dma_wait3A_46 = tpu.memref_slice %arg10[%dma_wait3A_44, %dma_wait3A_45] : memref<10000x128xf32, #tpu.memory_space<vmem_shared>> -> memref<10000x128xf32, #tpu.memory_space<vmem_shared>>
        tpu.wait_indirect_dma semaphore(%run_scoped3A : memref<!tpu.dma_semaphore, #tpu.memory_space<semaphore_mem>>) src(%arg8 : memref<80x128xf32, #tpu.memory_space<vmem>>) dst(%dma_wait3A_46 : memref<10000x128xf32, #tpu.memory_space<vmem_shared>>)
        tpu.yield
      }) : () -> ()
      %scan3A_40 = arith.constant 0 : i32
      scf.yield %scan3A_40 : i32
    }
    %scan3A_20 = arith.constant 125 : i32
    %barrier3A_21 = arith.constant 0 : index
    tpu.barrier barrier_id(%barrier3A_21)
    %scan3A_22 = arith.constant 0 : i32
    %scan3A_23 = arith.constant 0 : i32
    %scan3A_24 = arith.constant 8 : i32
    %scan3A_25 = arith.addi %scan3A_23, %scan3A_24 : i32
    %scan3A_26 = arith.constant 1 : i32
    %scan3A_27 = scf.for %scan3A_29 = %scan3A_23 to %scan3A_25 step %scan3A_26 iter_args(%scan3A_30 = %scan3A_22) -> (i32)  : i32 {
      %mul3A_31 = arith.constant 16 : i32
      %mul3A_32 = arith.muli %scan3A_29, %mul3A_31 : i32
      %add3A_33 = arith.addi %arg1, %mul3A_32 : i32
      %lt3A = arith.constant 125 : i32
      %lt3A_34 = arith.cmpi slt, %add3A_33, %lt3A : i32
      %convert_element_type3A = arith.extui %lt3A_34 : i1 to i32
      %cond3A = arith.constant 0 : i32
      %cond3A_35 = arith.cmpi ne, %convert_element_type3A, %cond3A : i32
      scf.if %cond3A_35 {
        %mul3A_37 = arith.constant 80 : i32
        %mul3A_38 = arith.muli %add3A_33, %mul3A_37 : i32
        %mul3A_39 = arith.constant 80 : i32
        %mul3A_40 = arith.muli %add3A_33, %mul3A_39 : i32
        "tpu.region"() ({
          %run_scoped3A = tpu.sem_alloc : memref<!tpu.dma_semaphore, #tpu.memory_space<semaphore_mem>>
          %dma_start3A = arith.constant 0 : i32
          %dma_start3A_41 = tpu.memref_slice %arg5[%arg0, %mul3A_40, %dma_start3A] : memref<2x10000x128xf32, #tpu.memory_space<hbm>> -> memref<1x80x128xf32, #tpu.memory_space<hbm>>
          %dma_start3A_42 = tpu.memref_squeeze %dma_start3A_41 : memref<1x80x128xf32, #tpu.memory_space<hbm>> -> memref<80x128xf32, #tpu.memory_space<hbm>>
          %dma_start3A_43 = arith.constant 0 : i32
          %dma_start3A_44 = tpu.memref_slice %arg10[%mul3A_38, %dma_start3A_43] : memref<10000x128xf32, #tpu.memory_space<vmem_shared>> -> memref<80x128xf32, #tpu.memory_space<vmem_shared>>
          tpu.enqueue_dma source(%dma_start3A_44 : memref<80x128xf32, #tpu.memory_space<vmem_shared>>) target(%dma_start3A_42 : memref<80x128xf32, #tpu.memory_space<hbm>>) target_semaphore(%run_scoped3A : memref<!tpu.dma_semaphore, #tpu.memory_space<semaphore_mem>>)
          %dma_wait3A = arith.constant 0 : i32
          %dma_wait3A_45 = tpu.memref_slice %arg5[%arg0, %mul3A_40, %dma_wait3A] : memref<2x10000x128xf32, #tpu.memory_space<hbm>> -> memref<1x80x128xf32, #tpu.memory_space<hbm>>
          %dma_wait3A_46 = tpu.memref_squeeze %dma_wait3A_45 : memref<1x80x128xf32, #tpu.memory_space<hbm>> -> memref<80x128xf32, #tpu.memory_space<hbm>>
          %dma_wait3A_47 = arith.constant 0 : i32
          %dma_wait3A_48 = tpu.memref_slice %arg10[%mul3A_38, %dma_wait3A_47] : memref<10000x128xf32, #tpu.memory_space<vmem_shared>> -> memref<80x128xf32, #tpu.memory_space<vmem_shared>>
          tpu.wait_dma2 semaphore(%run_scoped3A : memref<!tpu.dma_semaphore, #tpu.memory_space<semaphore_mem>>) src(%dma_wait3A_48 : memref<80x128xf32, #tpu.memory_space<vmem_shared>>) dst(%dma_wait3A_46 : memref<80x128xf32, #tpu.memory_space<hbm>>)
          tpu.yield
        }) : () -> ()
      } else {
      }
      %scan3A_36 = arith.constant 0 : i32
      scf.yield %scan3A_36 : i32
    }
    %scan3A_28 = arith.constant 8 : i32
    return
  }
}

module attributes {stable_mosaic.version = 14 : i64} {
  func.func @_pool_body(%arg0: i32, %arg1: memref<1x1x1000xi32, #tpu.memory_space<vmem>>, %arg2: memref<1000x128xf32, #tpu.memory_space<vmem>>, %arg3: memref<128x128xf32, #tpu.memory_space<vmem>>, %arg4: memref<1x128xf32, #tpu.memory_space<vmem>>, %arg5: memref<1x128xf32, #tpu.memory_space<vmem>>, %arg6: memref<1x128xf32, #tpu.memory_space<vmem>>, %arg7: memref<128x128xf32, #tpu.memory_space<vmem>>, %arg8: memref<1x128xf32, #tpu.memory_space<vmem>>, %arg9: memref<64x128xf32, #tpu.memory_space<vmem>>, %arg10: memref<64x128xf32, #tpu.memory_space<vmem>>) attributes {dimension_semantics = [#tpu.dimension_semantics<arbitrary>], iteration_bounds = array<i64: 10>, scalar_prefetch = 0 : i64, scratch_operands = 1 : i64, tpu.core_type = #tpu.core_type<tc>, window_params = [{transform_indices = @transform_0, window_bounds = array<i64: 1, 1, 1000>}, {transform_indices = @transform_1, window_bounds = array<i64: 1000, 128>}, {pipeline_mode = #tpu.pipeline_mode<synchronous>, transform_indices = @transform_2, window_bounds = array<i64: 128, 128>}, {pipeline_mode = #tpu.pipeline_mode<synchronous>, transform_indices = @transform_3, window_bounds = array<i64: 1, 128>}, {pipeline_mode = #tpu.pipeline_mode<synchronous>, transform_indices = @transform_4, window_bounds = array<i64: 1, 128>}, {pipeline_mode = #tpu.pipeline_mode<synchronous>, transform_indices = @transform_5, window_bounds = array<i64: 1, 128>}, {pipeline_mode = #tpu.pipeline_mode<synchronous>, transform_indices = @transform_6, window_bounds = array<i64: 128, 128>}, {pipeline_mode = #tpu.pipeline_mode<synchronous>, transform_indices = @transform_7, window_bounds = array<i64: 1, 128>}, {pipeline_mode = #tpu.pipeline_mode<synchronous>, transform_indices = @transform_8, window_bounds = array<i64: 64, 128>}]} {
    %eq3A = arith.constant 0 : i32
    %eq3A_0 = arith.cmpi eq, %arg0, %eq3A : i32
    %convert_element_type3A = arith.extui %eq3A_0 : i1 to i32
    %cond3A = arith.constant 0 : i32
    %cond3A_1 = arith.cmpi ne, %convert_element_type3A, %cond3A : i32
    scf.if %cond3A_1 {
      %broadcast_in_dim3A = arith.constant 0.000000e+00 : f32
      %broadcast_in_dim3A_24 = vector.broadcast %broadcast_in_dim3A : f32 to vector<64x128xf32>
      %swap3A_25 = arith.constant 0 : index
      %swap3A_26 = arith.constant 0 : index
      %swap3A_27 = vector.load %arg10[%swap3A_25, %swap3A_26] : memref<64x128xf32, #tpu.memory_space<vmem>>, vector<64x128xf32>
      tpu.vector_store %arg10[%swap3A_25, %swap3A_26], %broadcast_in_dim3A_24 {strides = array<i32>} : memref<64x128xf32, #tpu.memory_space<vmem>>, vector<64x128xf32>,
    } else {
    }
    %get3A = arith.constant 0 : index
    %get3A_2 = arith.constant 0 : index
    %get3A_3 = arith.constant 0 : index
    %get3A_4 = vector.load %arg1[%get3A, %get3A_2, %get3A_3] : memref<1x1x1000xi32, #tpu.memory_space<vmem>>, vector<1x1x1000xi32>
    %get3A_5 = vector.shape_cast %get3A_4 : vector<1x1x1000xi32> to vector<1x1000xi32>
    %iota3A = tpu.iota {dimensions = array<i32: 0>} : vector<64x1000xi32>
    %eq3A_6 = vector.broadcast %get3A_5 : vector<1x1000xi32> to vector<64x1000xi32>
    %eq3A_7 = arith.cmpi eq, %iota3A, %eq3A_6 : vector<64x1000xi32>
    %convert_element_type3A_8 = arith.extui %eq3A_7 : vector<64x1000xi1> to vector<64x1000xi32>
    %convert_element_type3A_9 = arith.sitofp %convert_element_type3A_8 : vector<64x1000xi32> to vector<64x1000xf32>
    %get3A_10 = arith.constant 0 : index
    %get3A_11 = arith.constant 0 : index
    %get3A_12 = vector.load %arg10[%get3A_10, %get3A_11] : memref<64x128xf32, #tpu.memory_space<vmem>>, vector<64x128xf32>
    %get3A_13 = arith.constant 0 : index
    %get3A_14 = arith.constant 0 : index
    %get3A_15 = vector.load %arg2[%get3A_13, %get3A_14] : memref<1000x128xf32, #tpu.memory_space<vmem>>, vector<1000x128xf32>
    %dot_general3A = arith.constant dense<0.000000e+00> : vector<64x128xf32>
    %dot_general3A_16 = tpu.matmul %convert_element_type3A_9, %get3A_15, %dot_general3A {dimension_numbers = #tpu.dot_dimension_numbers<[1], [0], [0], [1], [0, 0, 1, 1], [], []>, transpose_lhs_hint = false} : vector<64x1000xf32>, vector<1000x128xf32>, vector<64x128xf32> -> vector<64x128xf32>
    %add3A = arith.addf %get3A_12, %dot_general3A_16 : vector<64x128xf32>
    %swap3A = arith.constant 0 : index
    %swap3A_17 = arith.constant 0 : index
    %swap3A_18 = vector.load %arg10[%swap3A, %swap3A_17] : memref<64x128xf32, #tpu.memory_space<vmem>>, vector<64x128xf32>
    tpu.vector_store %arg10[%swap3A, %swap3A_17], %add3A {strides = array<i32>} : memref<64x128xf32, #tpu.memory_space<vmem>>, vector<64x128xf32>,
    %eq3A_19 = arith.constant 9 : i32
    %eq3A_20 = arith.cmpi eq, %arg0, %eq3A_19 : i32
    %convert_element_type3A_21 = arith.extui %eq3A_20 : i1 to i32
    %cond3A_22 = arith.constant 0 : i32
    %cond3A_23 = arith.cmpi ne, %convert_element_type3A_21, %cond3A_22 : i32
    scf.if %cond3A_23 {
      %get3A_24 = arith.constant 0 : index
      %get3A_25 = arith.constant 0 : index
      %get3A_26 = vector.load %arg10[%get3A_24, %get3A_25] : memref<64x128xf32, #tpu.memory_space<vmem>>, vector<64x128xf32>
      %get3A_27 = arith.constant 0 : index
      %get3A_28 = arith.constant 0 : index
      %get3A_29 = vector.load %arg3[%get3A_27, %get3A_28] : memref<128x128xf32, #tpu.memory_space<vmem>>, vector<128x128xf32>
      %dot_general3A_30 = arith.constant dense<0.000000e+00> : vector<64x128xf32>
      %dot_general3A_31 = tpu.matmul %get3A_26, %get3A_29, %dot_general3A_30 {dimension_numbers = #tpu.dot_dimension_numbers<[1], [0], [0], [1], [0, 0, 1, 1], [], []>, transpose_lhs_hint = false} : vector<64x128xf32>, vector<128x128xf32>, vector<64x128xf32> -> vector<64x128xf32>
      %get3A_32 = arith.constant 0 : index
      %get3A_33 = arith.constant 0 : index
      %get3A_34 = vector.load %arg4[%get3A_32, %get3A_33] : memref<1x128xf32, #tpu.memory_space<vmem>>, vector<1x128xf32>
      %add3A_35 = vector.broadcast %get3A_34 : vector<1x128xf32> to vector<64x128xf32>
      %add3A_36 = arith.addf %dot_general3A_31, %add3A_35 : vector<64x128xf32>
      %get3A_37 = arith.constant 0 : index
      %get3A_38 = arith.constant 0 : index
      %get3A_39 = vector.load %arg5[%get3A_37, %get3A_38] : memref<1x128xf32, #tpu.memory_space<vmem>>, vector<1x128xf32>
      %mul3A = arith.constant 0.999994993 : f32
      %mul3A_40 = vector.broadcast %mul3A : f32 to vector<1x128xf32>
      %mul3A_41 = arith.mulf %get3A_39, %mul3A_40 : vector<1x128xf32>
      %mul3A_42 = vector.broadcast %mul3A_41 : vector<1x128xf32> to vector<64x128xf32>
      %mul3A_43 = arith.mulf %add3A_36, %mul3A_42 : vector<64x128xf32>
      %get3A_44 = arith.constant 0 : index
      %get3A_45 = arith.constant 0 : index
      %get3A_46 = vector.load %arg6[%get3A_44, %get3A_45] : memref<1x128xf32, #tpu.memory_space<vmem>>, vector<1x128xf32>
      %add3A_47 = vector.broadcast %get3A_46 : vector<1x128xf32> to vector<64x128xf32>
      %add3A_48 = arith.addf %mul3A_43, %add3A_47 : vector<64x128xf32>
      %max3A = arith.constant 0.000000e+00 : f32
      %max3A_49 = vector.broadcast %max3A : f32 to vector<64x128xf32>
      %max3A_50 = arith.maximumf %add3A_48, %max3A_49 : vector<64x128xf32>
      %get3A_51 = arith.constant 0 : index
      %get3A_52 = arith.constant 0 : index
      %get3A_53 = vector.load %arg7[%get3A_51, %get3A_52] : memref<128x128xf32, #tpu.memory_space<vmem>>, vector<128x128xf32>
      %dot_general3A_54 = arith.constant dense<0.000000e+00> : vector<64x128xf32>
      %dot_general3A_55 = tpu.matmul %max3A_50, %get3A_53, %dot_general3A_54 {dimension_numbers = #tpu.dot_dimension_numbers<[1], [0], [0], [1], [0, 0, 1, 1], [], []>, transpose_lhs_hint = false} : vector<64x128xf32>, vector<128x128xf32>, vector<64x128xf32> -> vector<64x128xf32>
      %get3A_56 = arith.constant 0 : index
      %get3A_57 = arith.constant 0 : index
      %get3A_58 = vector.load %arg8[%get3A_56, %get3A_57] : memref<1x128xf32, #tpu.memory_space<vmem>>, vector<1x128xf32>
      %add3A_59 = vector.broadcast %get3A_58 : vector<1x128xf32> to vector<64x128xf32>
      %add3A_60 = arith.addf %dot_general3A_55, %add3A_59 : vector<64x128xf32>
      %swap3A_61 = arith.constant 0 : index
      %swap3A_62 = arith.constant 0 : index
      %swap3A_63 = vector.load %arg9[%swap3A_61, %swap3A_62] : memref<64x128xf32, #tpu.memory_space<vmem>>, vector<64x128xf32>
      tpu.vector_store %arg9[%swap3A_61, %swap3A_62], %add3A_60 {strides = array<i32>} : memref<64x128xf32, #tpu.memory_space<vmem>>, vector<64x128xf32>,
    } else {
    }
    return
  }
  func.func @transform_0(%arg0: i32) -> (i32, i32, i32) {
    %c0_i32 = arith.constant 0 : i32
    %c0_i32_0 = arith.constant 0 : i32
    %c0_i32_1 = arith.constant 0 : i32
    return %arg0, %c0_i32, %c0_i32_0 : i32, i32, i32
  }
  func.func @transform_1(%arg0: i32) -> (i32, i32) {
    %c0_i32 = arith.constant 0 : i32
    %c0_i32_0 = arith.constant 0 : i32
    return %arg0, %c0_i32 : i32, i32
  }
  func.func @transform_2(%arg0: i32) -> (i32, i32) {
    %c0_i32 = arith.constant 0 : i32
    %c0_i32_0 = arith.constant 0 : i32
    %c0_i32_1 = arith.constant 0 : i32
    return %c0_i32, %c0_i32_0 : i32, i32
  }
  func.func @transform_3(%arg0: i32) -> (i32, i32) {
    %c0_i32 = arith.constant 0 : i32
    %c0_i32_0 = arith.constant 0 : i32
    %c0_i32_1 = arith.constant 0 : i32
    return %c0_i32, %c0_i32_0 : i32, i32
  }
  func.func @transform_4(%arg0: i32) -> (i32, i32) {
    %c0_i32 = arith.constant 0 : i32
    %c0_i32_0 = arith.constant 0 : i32
    %c0_i32_1 = arith.constant 0 : i32
    return %c0_i32, %c0_i32_0 : i32, i32
  }
  func.func @transform_5(%arg0: i32) -> (i32, i32) {
    %c0_i32 = arith.constant 0 : i32
    %c0_i32_0 = arith.constant 0 : i32
    %c0_i32_1 = arith.constant 0 : i32
    return %c0_i32, %c0_i32_0 : i32, i32
  }
  func.func @transform_6(%arg0: i32) -> (i32, i32) {
    %c0_i32 = arith.constant 0 : i32
    %c0_i32_0 = arith.constant 0 : i32
    %c0_i32_1 = arith.constant 0 : i32
    return %c0_i32, %c0_i32_0 : i32, i32
  }
  func.func @transform_7(%arg0: i32) -> (i32, i32) {
    %c0_i32 = arith.constant 0 : i32
    %c0_i32_0 = arith.constant 0 : i32
    %c0_i32_1 = arith.constant 0 : i32
    return %c0_i32, %c0_i32_0 : i32, i32
  }
  func.func @transform_8(%arg0: i32) -> (i32, i32) {
    %c0_i32 = arith.constant 0 : i32
    %c0_i32_0 = arith.constant 0 : i32
    %c0_i32_1 = arith.constant 0 : i32
    return %c0_i32, %c0_i32_0 : i32, i32
  }
}

module attributes {stable_mosaic.version = 14 : i64} {
  func.func @_mlp_body(%arg0: i32, %arg1: memref<1x1xf32, #tpu.memory_space<smem>>, %arg2: memref<1000x128xf32, #tpu.memory_space<vmem>>, %arg3: memref<2x1000x128xf32, #tpu.memory_space<vmem>>, %arg4: memref<128x128xf32, #tpu.memory_space<vmem>>, %arg5: memref<1x128xf32, #tpu.memory_space<vmem>>, %arg6: memref<1x128xf32, #tpu.memory_space<vmem>>, %arg7: memref<1x128xf32, #tpu.memory_space<vmem>>, %arg8: memref<128x128xf32, #tpu.memory_space<vmem>>, %arg9: memref<1x128xf32, #tpu.memory_space<vmem>>, %arg10: memref<1x128xf32, #tpu.memory_space<vmem>>, %arg11: memref<1x128xf32, #tpu.memory_space<vmem>>, %arg12: memref<1000x128xf32, #tpu.memory_space<vmem>>) attributes {dimension_semantics = [#tpu.dimension_semantics<arbitrary>], iteration_bounds = array<i64: 10>, scalar_prefetch = 0 : i64, scratch_operands = 0 : i64, tpu.core_type = #tpu.core_type<tc>, window_params = [{transform_indices = @transform_0, window_bounds = array<i64: 1, 1>}, {transform_indices = @transform_1, window_bounds = array<i64: 1000, 128>}, {transform_indices = @transform_2, window_bounds = array<i64: 2, 1000, 128>}, {pipeline_mode = #tpu.pipeline_mode<synchronous>, transform_indices = @transform_3, window_bounds = array<i64: 128, 128>}, {pipeline_mode = #tpu.pipeline_mode<synchronous>, transform_indices = @transform_4, window_bounds = array<i64: 1, 128>}, {pipeline_mode = #tpu.pipeline_mode<synchronous>, transform_indices = @transform_5, window_bounds = array<i64: 1, 128>}, {pipeline_mode = #tpu.pipeline_mode<synchronous>, transform_indices = @transform_6, window_bounds = array<i64: 1, 128>}, {pipeline_mode = #tpu.pipeline_mode<synchronous>, transform_indices = @transform_7, window_bounds = array<i64: 128, 128>}, {pipeline_mode = #tpu.pipeline_mode<synchronous>, transform_indices = @transform_8, window_bounds = array<i64: 1, 128>}, {pipeline_mode = #tpu.pipeline_mode<synchronous>, transform_indices = @transform_9, window_bounds = array<i64: 1, 128>}, {pipeline_mode = #tpu.pipeline_mode<synchronous>, transform_indices = @transform_10, window_bounds = array<i64: 1, 128>}, {transform_indices = @transform_11, window_bounds = array<i64: 1000, 128>}]} {
    %get3A = arith.constant 0 : index
    %get3A_0 = arith.constant 0 : index
    %get3A_1 = vector.load %arg2[%get3A, %get3A_0] : memref<1000x128xf32, #tpu.memory_space<vmem>>, vector<1000x128xf32>
    %get3A_2 = arith.constant 0 : index
    %get3A_3 = arith.constant 0 : index
    %get3A_4 = memref.load %arg1[%get3A_2, %get3A_3] : memref<1x1xf32, #tpu.memory_space<smem>>
    %add3A = arith.constant 1.000000e+00 : f32
    %add3A_5 = arith.addf %add3A, %get3A_4 : f32
    %mul3A = vector.broadcast %add3A_5 : f32 to vector<1000x128xf32>
    %mul3A_6 = arith.mulf %get3A_1, %mul3A : vector<1000x128xf32>
    %get3A_7 = arith.constant 0 : index
    %get3A_8 = arith.constant 0 : index
    %get3A_9 = arith.constant 0 : index
    %get3A_10 = vector.load %arg3[%get3A_7, %get3A_8, %get3A_9] : memref<2x1000x128xf32, #tpu.memory_space<vmem>>, vector<1x1000x128xf32>
    %get3A_11 = vector.shape_cast %get3A_10 : vector<1x1000x128xf32> to vector<1000x128xf32>
    %add3A_12 = arith.addf %mul3A_6, %get3A_11 : vector<1000x128xf32>
    %get3A_13 = arith.constant 1 : index
    %get3A_14 = arith.constant 0 : index
    %get3A_15 = arith.constant 0 : index
    %get3A_16 = vector.load %arg3[%get3A_13, %get3A_14, %get3A_15] : memref<2x1000x128xf32, #tpu.memory_space<vmem>>, vector<1x1000x128xf32>
    %get3A_17 = vector.shape_cast %get3A_16 : vector<1x1000x128xf32> to vector<1000x128xf32>
    %add3A_18 = arith.addf %add3A_12, %get3A_17 : vector<1000x128xf32>
    %get3A_19 = arith.constant 0 : index
    %get3A_20 = arith.constant 0 : index
    %get3A_21 = vector.load %arg4[%get3A_19, %get3A_20] : memref<128x128xf32, #tpu.memory_space<vmem>>, vector<128x128xf32>
    %dot_general3A = arith.constant dense<0.000000e+00> : vector<1000x128xf32>
    %dot_general3A_22 = tpu.matmul %add3A_18, %get3A_21, %dot_general3A {dimension_numbers = #tpu.dot_dimension_numbers<[1], [0], [0], [1], [0, 0, 1, 1], [], []>, transpose_lhs_hint = false} : vector<1000x128xf32>, vector<128x128xf32>, vector<1000x128xf32> -> vector<1000x128xf32>
    %get3A_23 = arith.constant 0 : index
    %get3A_24 = arith.constant 0 : index
    %get3A_25 = vector.load %arg5[%get3A_23, %get3A_24] : memref<1x128xf32, #tpu.memory_space<vmem>>, vector<1x128xf32>
    %add3A_26 = vector.broadcast %get3A_25 : vector<1x128xf32> to vector<1000x128xf32>
    %add3A_27 = arith.addf %dot_general3A_22, %add3A_26 : vector<1000x128xf32>
    %get3A_28 = arith.constant 0 : index
    %get3A_29 = arith.constant 0 : index
    %get3A_30 = vector.load %arg6[%get3A_28, %get3A_29] : memref<1x128xf32, #tpu.memory_space<vmem>>, vector<1x128xf32>
    %mul3A_31 = arith.constant 0.999994993 : f32
    %mul3A_32 = vector.broadcast %mul3A_31 : f32 to vector<1x128xf32>
    %mul3A_33 = arith.mulf %get3A_30, %mul3A_32 : vector<1x128xf32>
    %mul3A_34 = vector.broadcast %mul3A_33 : vector<1x128xf32> to vector<1000x128xf32>
    %mul3A_35 = arith.mulf %add3A_27, %mul3A_34 : vector<1000x128xf32>
    %get3A_36 = arith.constant 0 : index
    %get3A_37 = arith.constant 0 : index
    %get3A_38 = vector.load %arg7[%get3A_36, %get3A_37] : memref<1x128xf32, #tpu.memory_space<vmem>>, vector<1x128xf32>
    %add3A_39 = vector.broadcast %get3A_38 : vector<1x128xf32> to vector<1000x128xf32>
    %add3A_40 = arith.addf %mul3A_35, %add3A_39 : vector<1000x128xf32>
    %max3A = arith.constant 0.000000e+00 : f32
    %max3A_41 = vector.broadcast %max3A : f32 to vector<1000x128xf32>
    %max3A_42 = arith.maximumf %add3A_40, %max3A_41 : vector<1000x128xf32>
    %get3A_43 = arith.constant 0 : index
    %get3A_44 = arith.constant 0 : index
    %get3A_45 = vector.load %arg8[%get3A_43, %get3A_44] : memref<128x128xf32, #tpu.memory_space<vmem>>, vector<128x128xf32>
    %dot_general3A_46 = arith.constant dense<0.000000e+00> : vector<1000x128xf32>
    %dot_general3A_47 = tpu.matmul %max3A_42, %get3A_45, %dot_general3A_46 {dimension_numbers = #tpu.dot_dimension_numbers<[1], [0], [0], [1], [0, 0, 1, 1], [], []>, transpose_lhs_hint = false} : vector<1000x128xf32>, vector<128x128xf32>, vector<1000x128xf32> -> vector<1000x128xf32>
    %get3A_48 = arith.constant 0 : index
    %get3A_49 = arith.constant 0 : index
    %get3A_50 = vector.load %arg9[%get3A_48, %get3A_49] : memref<1x128xf32, #tpu.memory_space<vmem>>, vector<1x128xf32>
    %add3A_51 = vector.broadcast %get3A_50 : vector<1x128xf32> to vector<1000x128xf32>
    %add3A_52 = arith.addf %dot_general3A_47, %add3A_51 : vector<1000x128xf32>
    %get3A_53 = arith.constant 0 : index
    %get3A_54 = arith.constant 0 : index
    %get3A_55 = vector.load %arg10[%get3A_53, %get3A_54] : memref<1x128xf32, #tpu.memory_space<vmem>>, vector<1x128xf32>
    %mul3A_56 = arith.constant 0.999994993 : f32
    %mul3A_57 = vector.broadcast %mul3A_56 : f32 to vector<1x128xf32>
    %mul3A_58 = arith.mulf %get3A_55, %mul3A_57 : vector<1x128xf32>
    %mul3A_59 = vector.broadcast %mul3A_58 : vector<1x128xf32> to vector<1000x128xf32>
    %mul3A_60 = arith.mulf %add3A_52, %mul3A_59 : vector<1000x128xf32>
    %get3A_61 = arith.constant 0 : index
    %get3A_62 = arith.constant 0 : index
    %get3A_63 = vector.load %arg11[%get3A_61, %get3A_62] : memref<1x128xf32, #tpu.memory_space<vmem>>, vector<1x128xf32>
    %add3A_64 = vector.broadcast %get3A_63 : vector<1x128xf32> to vector<1000x128xf32>
    %add3A_65 = arith.addf %mul3A_60, %add3A_64 : vector<1000x128xf32>
    %max3A_66 = arith.constant 0.000000e+00 : f32
    %max3A_67 = vector.broadcast %max3A_66 : f32 to vector<1000x128xf32>
    %max3A_68 = arith.maximumf %add3A_65, %max3A_67 : vector<1000x128xf32>
    %swap3A = arith.constant 0 : index
    %swap3A_69 = arith.constant 0 : index
    %swap3A_70 = vector.load %arg12[%swap3A, %swap3A_69] : memref<1000x128xf32, #tpu.memory_space<vmem>>, vector<1000x128xf32>
    tpu.vector_store %arg12[%swap3A, %swap3A_69], %max3A_68 {strides = array<i32>} : memref<1000x128xf32, #tpu.memory_space<vmem>>, vector<1000x128xf32>,
    return
  }
  func.func @transform_0(%arg0: i32) -> (i32, i32) {
    %c0_i32 = arith.constant 0 : i32
    %c0_i32_0 = arith.constant 0 : i32
    %c0_i32_1 = arith.constant 0 : i32
    return %c0_i32, %c0_i32_0 : i32, i32
  }
  func.func @transform_1(%arg0: i32) -> (i32, i32) {
    %c0_i32 = arith.constant 0 : i32
    %c0_i32_0 = arith.constant 0 : i32
    return %arg0, %c0_i32 : i32, i32
  }
  func.func @transform_2(%arg0: i32) -> (i32, i32, i32) {
    %c0_i32 = arith.constant 0 : i32
    %c0_i32_0 = arith.constant 0 : i32
    %c0_i32_1 = arith.constant 0 : i32
    return %c0_i32, %arg0, %c0_i32_0 : i32, i32, i32
  }
  func.func @transform_3(%arg0: i32) -> (i32, i32) {
    %c0_i32 = arith.constant 0 : i32
    %c0_i32_0 = arith.constant 0 : i32
    %c0_i32_1 = arith.constant 0 : i32
    return %c0_i32, %c0_i32_0 : i32, i32
  }
  func.func @transform_4(%arg0: i32) -> (i32, i32) {
    %c0_i32 = arith.constant 0 : i32
    %c0_i32_0 = arith.constant 0 : i32
    %c0_i32_1 = arith.constant 0 : i32
    return %c0_i32, %c0_i32_0 : i32, i32
  }
  func.func @transform_5(%arg0: i32) -> (i32, i32) {
    %c0_i32 = arith.constant 0 : i32
    %c0_i32_0 = arith.constant 0 : i32
    %c0_i32_1 = arith.constant 0 : i32
    return %c0_i32, %c0_i32_0 : i32, i32
  }
  func.func @transform_6(%arg0: i32) -> (i32, i32) {
    %c0_i32 = arith.constant 0 : i32
    %c0_i32_0 = arith.constant 0 : i32
    %c0_i32_1 = arith.constant 0 : i32
    return %c0_i32, %c0_i32_0 : i32, i32
  }
  func.func @transform_7(%arg0: i32) -> (i32, i32) {
    %c0_i32 = arith.constant 0 : i32
    %c0_i32_0 = arith.constant 0 : i32
    %c0_i32_1 = arith.constant 0 : i32
    return %c0_i32, %c0_i32_0 : i32, i32
  }
  func.func @transform_8(%arg0: i32) -> (i32, i32) {
    %c0_i32 = arith.constant 0 : i32
    %c0_i32_0 = arith.constant 0 : i32
    %c0_i32_1 = arith.constant 0 : i32
    return %c0_i32, %c0_i32_0 : i32, i32
  }
  func.func @transform_9(%arg0: i32) -> (i32, i32) {
    %c0_i32 = arith.constant 0 : i32
    %c0_i32_0 = arith.constant 0 : i32
    %c0_i32_1 = arith.constant 0 : i32
    return %c0_i32, %c0_i32_0 : i32, i32
  }
  func.func @transform_10(%arg0: i32) -> (i32, i32) {
    %c0_i32 = arith.constant 0 : i32
    %c0_i32_0 = arith.constant 0 : i32
    %c0_i32_1 = arith.constant 0 : i32
    return %c0_i32, %c0_i32_0 : i32, i32
  }
  func.func @transform_11(%arg0: i32) -> (i32, i32) {
    %c0_i32 = arith.constant 0 : i32
    %c0_i32_0 = arith.constant 0 : i32
    return %arg0, %c0_i32 : i32, i32
  }
}

</mosaic_0001>

<sc_bundles>
// kernel: kernel.12.cloned.1.call-start
scs
__scs_entry_jumppad:
0x0: {  	(pc) =	sbr.rel $0x88, $3  }
0x1: {  	(tag) =	ssettag $0x0;
	lr =	simm.s32 $0x1  }
0x2: {  	[smem:$0x3F7D] =	sst lr;
	_ =	strace $0xD0000000  }
0x3: {  	_ = 	snop  }
0x4: {  	_ = 	snop  }
0x5: {  	_ = 	snop  }
0x6: {  	_ = 	snop  }
0x7: {  	_ = 	snop  }
__scs_overlays_trampoline_lowered:
0x8: {  	[smem:$0x3F8C] =	sst s0  }
0x9: {  	[smem:$0x3F8D] =	sst s1  }
0xa: {  	[smem:$0x3F8E] =	sst s2  }
0xb: {  	[smem:$0x3F8F] =	sst s3  }
0xc: {  	[smem:$0x3F90] =	sst s4  }
0xd: {  	[smem:$0x3F91] =	sst s5  }
0xe: {  	[smem:$0x3F92] =	sst s6  }
0xf: {  	[smem:$0x3F93] =	sst s7  }
0x10: {  	[smem:$0x3F94] =	sst s8  }
0x11: {  	[smem:$0x3F95] =	sst s9;
	s0 =	simm.s32 @!p0 $0x0  }
0x12: {  	s1 =	sld [smem:$0x3F7B];
	s0 =	simm.s32 @p0 $0x1  }
0x13: {  	[smem:$0x3F96] =	sst s0;
	s0 =	simm.s32 @!p1 $0x0  }
0x14: {  	s2 =	sld [smem:$0x3F7A];
	s0 =	simm.s32 @p1 $0x1  }
0x15: {  	[smem:$0x3F97] =	sst s0;
	s0 =	simm.s32 @!p2 $0x0  }
0x16: {  	s3 =	sld [smem:$0x3FDB];
	s0 =	simm.s32 @p2 $0x1  }
0x17: {  	s4 =	simm.s32 $0x1BF5;
	[smem:$0x3F99] =	sst s0  }
0x18: {  	s0 =	sld [smem:$0x3F7C];
	_ =	swait.ge [sflag:s4], $0x0  }
0x19: {  	s7 =	sld [smem:$0x3F7D]  }
0x1a: {  	s8 =	sadd.s32 $0xFFFFE003, lr  }
0x1b: {  	s9 =	sadd.s32 $0xFFFFFEF7, lr;
	s5 =	simm.s32 $0xFFFFFFFF;
	p2 =	slt.u32 s8, $0xFFFFF086  }
0x1c: {  	p1 =	slt.u32 s9, $0xF7A;
	s5 =	simm.s32 @!p2 $0x0  }
0x1d: {  	s5 =	simm.s32 @p1 $0x1;
	p0 =	seq.s32 s7, s2  }
0x1e: {  	s7 =	smul.u32 @!p0 $0xF7A, s2;
	p2 =	seq.s32 @!p0 s5, $0x0  }
0x1f: {  	s9 =	smul.u32 $0xF7A, s1;
	s8 =	simm.s32 @!p0 $0x1BF5;
	p2 =	por !p2, p0  }
0x20: {  	[sflag:s8] =	ssyncset.s32 @!p0 $0xFFFFF086;
	s6 =	sadd.s32 @!p0 s3, s7;
	s7 =	simm.s32 @!p0 $0x108  }
0x21: {  	s3 =	sadd.s32 s3, s9;
	s6 =	sadd.s32 @!p0 $0x88, s6;
	s7 =	simm.s32 @p2 $0x1082  }
0x22: {  	[simem:s7], [sflag:s8] =	dma.local @!p0 [hbm:s6], $0xF7A  }
0x23: {  	s9 =	sor.u32 $0xD0000000, s2;
	s6 =	simm.s32 $0x108;
	_ =	swait.ge @!p0 [sflag:s8], $0x0  }
0x24: {  	s3 =	sadd.s32 $0x88, s3;
	s6 =	simm.s32 @!p1 $0x1082;
	[sflag:s4] =	ssyncset.s32 $0xFFFFF086  }
0x25: {  	[simem:s6], [sflag:s4] =	dma.local [hbm:s3], $0xF7A  }
0x26: {  	[smem:$0x3F7D] =	sst s1;
	(tag) =	ssettag s2;
	_ =	strace s9  }
0x27: {  	s1 =	sld [smem:$0x3F8D]  }
0x28: {  	s2 =	sld [smem:$0x3F8E]  }
0x29: {  	s4 =	sld [smem:$0x3F90]  }
0x2a: {  	p0 =	seq.s32 s5, $0x0;
	s5 =	sld [smem:$0x3F91]  }
0x2b: {  	s6 =	sld [smem:$0x3F92]  }
0x2c: {  	s7 =	sld [smem:$0x3F93]  }
0x2d: {  	s3 =	simm.s32 $0x108;
	s8 =	sld [smem:$0x3F94]  }
0x2e: {  	s3 =	simm.s32 @!p0 $0x1082;
	s9 =	sld [smem:$0x3F95]  }
0x2f: {  	lr =	sadd.s32 s0, s3;
	s0 =	sld [smem:$0x3F8C]  }
0x30: {  	s3 =	sld [smem:$0x3F8F]  }
0x31: {  	[smem:$0x3F98] =	sst s10  }
0x32: {  	s10 =	sld [smem:$0x3F96];
	_ =	sdelay $0x3  }
0x33: {  	p0 =	seq.s32 s10, $0x1;
	s10 =	sld [smem:$0x3F98];
	_ =	sdelay $0x3  }
0x34: {  	[smem:$0x3F98] =	sst s10  }
0x35: {  	s10 =	sld [smem:$0x3F97];
	_ =	sdelay $0x3  }
0x36: {  	p1 =	seq.s32 s10, $0x1;
	s10 =	sld [smem:$0x3F98];
	_ =	sdelay $0x3  }
0x37: {  	[smem:$0x3F98] =	sst s10  }
0x38: {  	s10 =	sld [smem:$0x3F99]  }
0x39: {  	_ = 	snop;
	(pc) =	sbr.ind lr, $3  }
0x3a: {  	_ = 	snop  }
0x3b: {  	_ = 	snop  }
0x3c: {  	p2 =	seq.s32 s10, $0x1;
	s10 =	sld [smem:$0x3F98]  }
0x3d: {  	_ =	shalt  }
0x3e: {  	_ =	shalt  }
0x3f: {  	_ =	shalt  }
0x40: {  	_ =	shalt  }
0x41: {  	_ =	shalt  }
0x42: {  	_ =	shalt  }
0x43: {  	_ =	shalt  }
0x44: {  	_ =	shalt  }
0x45: {  	_ =	shalt  }
0x46: {  	_ =	shalt  }
0x47: {  	_ =	shalt  }
0x48: {  	_ =	shalt  }
0x49: {  	_ =	shalt  }
0x4a: {  	_ =	shalt  }
0x4b: {  	_ =	shalt  }
0x4c: {  	_ =	shalt  }
0x4d: {  	_ =	shalt  }
0x4e: {  	_ =	shalt  }
0x4f: {  	_ =	shalt  }
0x50: {  	_ =	shalt  }
0x51: {  	_ =	shalt  }
0x52: {  	_ =	shalt  }
0x53: {  	_ =	shalt  }
0x54: {  	_ =	shalt  }
0x55: {  	_ =	shalt  }
0x56: {  	_ =	shalt  }
0x57: {  	_ =	shalt  }
0x58: {  	_ =	shalt  }
0x59: {  	_ =	shalt  }
0x5a: {  	_ =	shalt  }
0x5b: {  	_ =	shalt  }
0x5c: {  	_ =	shalt  }
0x5d: {  	_ =	shalt  }
0x5e: {  	_ =	shalt  }
0x5f: {  	_ =	shalt  }
0x60: {  	_ =	shalt  }
0x61: {  	_ =	shalt  }
0x62: {  	_ =	shalt  }
0x63: {  	_ =	shalt  }
0x64: {  	_ =	shalt  }
0x65: {  	_ =	shalt  }
0x66: {  	_ =	shalt  }
0x67: {  	_ =	shalt  }
0x68: {  	_ =	shalt  }
0x69: {  	_ =	shalt  }
0x6a: {  	_ =	shalt  }
0x6b: {  	_ =	shalt  }
0x6c: {  	_ =	shalt  }
0x6d: {  	_ =	shalt  }
0x6e: {  	_ =	shalt  }
0x6f: {  	_ =	shalt  }
0x70: {  	_ =	shalt  }
0x71: {  	_ =	shalt  }
0x72: {  	_ =	shalt  }
0x73: {  	_ =	shalt  }
0x74: {  	_ =	shalt  }
0x75: {  	_ =	shalt  }
0x76: {  	_ =	shalt  }
0x77: {  	_ =	shalt  }
0x78: {  	_ =	shalt  }
0x79: {  	_ =	shalt  }
0x7a: {  	_ =	shalt  }
0x7b: {  	_ =	shalt  }
0x7c: {  	_ =	shalt  }
0x7d: {  	_ =	shalt  }
0x7e: {  	_ =	shalt  }
0x7f: {  	_ =	shalt  }
0x80: {  	_ =	shalt  }
0x81: {  	_ =	shalt  }
0x82: {  	_ =	shalt  }
0x83: {  	_ =	shalt  }
0x84: {  	_ =	shalt  }
0x85: {  	_ =	shalt  }
0x86: {  	_ =	shalt  }
0x87: {  	_ =	shalt  }
.Lfunc_end0:
.L_simem_size_0:
called_computation.1_lowered:
.L_overlay_start_0:
0x88: {  	s2 =	sld [smem:$0x3FD9]  }
0x89: {  	s3 =	sld [smem:$0x3FFE];
	_ =	sdelay $0x1  }
0x8a: {  	s1 =	srdreg.scid  }
0x8b: {  	s0 =	sand.u32 $0x1, s1  }
0x8c: {  	s16 =	sshll.u32 s0, $0xA;
	s2 =	sadd.s32 s3, s2  }
0x8d: {  	s2 =	sadd.s32 s2, s16  }
0x8e: {  	[smem:$0x3FA4] =	sst s2  }
0x8f: {  	_ = 	snop  }
0x90: {  	(tm) =	ssettm $0x1  }
0x91: {  	s17 =	sld [smem:$0x3FFB];
	_ =	sdelay $0x3  }
0x92: {  	_ =	strace s17  }
0x93: {  	s2 =	sld [smem:$0x3FFC];
	_ =	sdelay $0x3  }
0x94: {  	_ =	strace s2  }
0x95: {  	s2 =	sld [smem:$0x3FFD];
	_ =	sdelay $0x3  }
0x96: {  	_ =	strace s2  }
0x97: {  	_ =	strace $0x8FFFFFFF  }
0x98: {  	s18 =	sld [smem:$0x3FDB];
	_ =	sdelay $0x1  }
0x99: {  	s19 =	simm.s32 $_scs_section_size  }
0x9a: {  	s4 =	simm.s32 $_size__tile_overlayer_lowered;
	s5 =	simm.s32 $_tile_overlayer_lowered  }
0x9b: {  	s22 =	simm.s32 $0x1BFF;
	s21 =	sshll.u32 s5, $0x1;
	s2 =	sadd.s32 s19, s18  }
0x9c: {  	s6 =	simm.s32 $0x0;
	s20 =	sshll.u32 s4, $0x1;
	s4 =	sadd.s32 s21, s2  }
0x9d: {  	[timem:s6], [sflag:s22] =	dma.local [hbm:s4], s20  }
0x9e: {  	_ =	swait.ge [sflag:s22], s20  }
0x9f: {  	s3 =	ssub.s32 $0x0, s20;
	[sflag:s22] =	ssyncset.done $0x0  }
0xa0: {  	[sflag:s22] =	ssyncadd.s32 s3;
	_ =	sdelay $0x1  }
0xa1: {  	s23 =	simm.s32 $0x1B8B  }
0xa2: {  	_ =	swait.ge [sflag:s23], $0x1  }
0xa3: {  	[sflag:s23] =	ssyncset.done $0x0  }
0xa4: {  	s25 =	simm.s32 $0x1B8E;
	s24 =	sld [smem:$0x3FFE];
	[sflag:s23] =	ssyncadd.s32 $0xFFFFFFFF  }
0xa5: {  	s26 =	simm.s32 $execute0_lowered;
	[smem:$0x3FD2] =	sst s25  }
0xa6: {  	s4 =	sshll.u32 s26, $0x1;
	_ =	strace $0x80000049;
	[dreg:$0x1] =	wrdreg $0xFFFFFFFF  }
0xa7: {  	s28 =	simm.s32 $_size_execute0_lowered;
	s2 =	sadd.s32 s2, s4;
	[dreg:$0x0] =	wrdreg $0x0  }
0xa8: {  	s4 =	sshll.u32 s28, $0x1;
	[dreg:$0x2] =	wrdreg s2  }
0xa9: {  	[dreg:$0x3] =	wrdreg s4  }
0xaa: {  	[dreg:$0x4] =	wrdreg $0xC0  }
0xab: {  	_ =	task [dreg:s6], $0x5FFFF  }
0xac: {  	[dreg:$0x1] =	wrdreg $0xFFFFFFFF  }
0xad: {  	[dreg:$0x0] =	wrdreg $0x60  }
0xae: {  	[dreg:$0x2] =	wrdreg s24  }
0xaf: {  	[dreg:$0x3] =	wrdreg $0x51000  }
0xb0: {  	[dreg:$0x4] =	wrdreg $0x9  }
0xb1: {  	_ =	task.clear_ibuf [dreg:s6], $0x5FFFF;
	_ =	strace $0x90000049  }
0xb2: {  	s29 =	simm.s32 $0x9;
	_ =	strace $0x8000004B  }
0xb3: {  	_ =	swait.ge [sflag:s29], $0x1  }
0xb4: {  	[sflag:s29] =	ssyncadd.s32 $0xFFFFFFFF  }
0xb5: {  	_ =	strace $0x9000004B  }
0xb6: {  	_ =	sfence  }
0xb7: {  	s30 =	sld [smem:$0x0];
	_ =	sdelay $0x2  }
0xb8: {  	s31 =	sshll.u32 s1, $0xD;
	s1 =	sshrl.u32 s1, $0x2  }
0xb9: {  	s3 =	sand.u32 $0x4000, s31;
	s1 =	sadd.s32 s1, s30  }
0xba: {  	s0 =	sor.u32 s3, s0;
	s1 =	sshll.u32 s1, $0x11  }
0xbb: {  	s0 =	sor.u32 s1, s0  }
0xbc: {  	s0 =	sadd.s32 $0x8F2B, s0  }
0xbd: {  	[sflag:s0] =	ssyncadd.remote.s32 $0x1  }
0xbe: {  	_ =	sfence.sel $0xFFFF  }
0xbf: {  	[dreg:$0x0] =	wrdreg $0xFFFFFFFF;
	(pc) =	sbr.abs _section_cstart, $3  }
0xc0: {  	[dreg:$0x1] =	wrdreg $0xFFFFFFFF  }
0xc1: {  	_ =	task.clear_ibuf [dreg:s6], $0x2FFFF;
	_ =	strace $0x9FFFFFFF  }
0xc2: {  	(tm) =	ssettm $0x7FFFFFFF  }
0xc3: {  	_ =	shalt  }
tec
execute0_lowered:
.L_overlay_start_1:
0x0: {  	(tag) =	ssettag $0x1  }
0x1: {  	s14 =	stileid.u32  }
0x2: {  	s0 =	srdreg.scid;
	s4 =	smul.u32 $0x4E20, s14  }
0x3: {  	s1 =	rddreg [dreg:$0x0];
	s0 =	sand.u32 $0x1, s0;
	s7 =	smul.u32 $0xA000, s14  }
0x4: {  	s2 =	rddreg [dreg:$0x1];
	s12 =	sor.u32 $0x10, s14;
	s5 =	smul.u32 $0x2710, s0  }
0x5: {  	s3 =	simm.s32 $0x0;
	s28 =	simm.s32 $0x50;
	s20 =	smul.u32 $0xA000, s12  }
0x6: {  	s22 =	sor.u32 $0x20, s14;
	s18 =	ssub.s32 $0x2, s0;
	s0 =	smul.u32 $0x138800, s0  }
0x7: {  	s29 =	simm.s32 $0x100;
	s26 =	sor.u32 $0x30, s14;
	s8 =	smul.u32 $0xA000, s22  }
0x8: {  	s30 =	simm.s32 $0x1;
	s15 =	sor.u32 $0x40, s14;
	s9 =	smul.u32 $0xA000, s26  }
0x9: {  	s31 =	simm.s32 $0x0;
	s17 =	sor.u32 $0x50, s14;
	s10 =	smul.u32 $0xA000, s15  }
0xa: {  	[smem:$0x7FF] =	sst s3;
	s24 =	sor.u32 $0x70, s14;
	s11 =	smul.u32 $0xA000, s17  }
0xb: {  	s21 =	sadd.s32 $0x40600, s1;
	_ =	strace $0x8000004A;
	s16 =	smul.u32 $0xA000, s24  }
0xc: {  	p0 =	sgt.u32 s24, $0x7C;
	s6 =	sshrl.u32 s18, $0x1;
	s25 =	sshrl.u32 s7, $0x2  }
0xd: {  	s4 =	sadd.s32 s5, s4;
	s19 =	ssub.s32 s18, s6;
	s6 =	sadd.s32 s25, s2  }
0xe: {  	s8 =	sshrl.u32 s8, $0x2;
	s9 =	sshrl.u32 s9, $0x2;
	s18 =	sor.u32 $0x60, s14  }
0xf: {  	s10 =	sshrl.u32 s10, $0x2;
	s11 =	sshrl.u32 s11, $0x2;
	s14 =	smul.u32 $0x2800, s14  }
0x10: {  	s16 =	sshrl.u32 s16, $0x2;
	s5 =	sshrl.u32 s4, $0x3;
	s4 =	sadd.s32 $0x19400, s1  }
0x11: {  	s8 =	sadd.s32 s8, s2;
	s9 =	sadd.s32 s9, s2;
	s13 =	smul.u32 $0xA000, s18  }
0x12: {  	s23 =	sadd.s32 s5, s1;
	s1 =	smax.u32 s19, $0x1;
	s19 =	smul.u32 $0x2800, s12  }
0x13: {  	s5 =	sshrl.u32 s20, $0x2;
	[dreg:$0x3] =	wrdreg s1;
	s1 =	smul.u32 $0x2800, s22  }
0x14: {  	s10 =	sadd.s32 s10, s2;
	s7 =	sadd.s32 s5, s2;
	s5 =	smul.u32 $0x2800, s26  }
0x15: {  	s11 =	sadd.s32 s11, s2;
	s14 =	sadd.s32 s0, s14;
	s22 =	smul.u32 $0x2800, s15  }
0x16: {  	s13 =	sshrl.u32 s13, $0x2;
	s14 =	sshrl.u32 s14, $0x3;
	s26 =	smul.u32 $0x2800, s17  }
0x17: {  	s15 =	smul.u32 $0x2800, s18;
	s12 =	sadd.s32 s13, s2;
	s14 =	sadd.s32 s21, s14  }
0x18: {  	s13 =	sadd.s32 s16, s2;
	s20 =	sadd.s32 s0, s19;
	[dreg:$0x4] =	wrdreg s14  }
0x19: {  	s1 =	sadd.s32 s0, s1;
	s16 =	sshrl.u32 s20, $0x3;
	s5 =	sadd.s32 s0, s5  }
0x1a: {  	s14 =	sadd.s32 s0, s22;
	s20 =	smul.u32 $0x2800, s24;
	s24 =	simm.s32 $0x2900  }
0x1b: {  	s1 =	sshrl.u32 s1, $0x3;
	s25 =	sadd.s32 s21, s16;
	s5 =	sshrl.u32 s5, $0x3  }
0x1c: {  	s22 =	sshrl.u32 s14, $0x3;
	[dreg:$0x5] =	wrdreg s25;
	s16 =	sadd.s32 s21, s1  }
0x1d: {  	s17 =	sadd.s32 s21, s5;
	s18 =	sadd.s32 s21, s22;
	s1 =	sadd.s32 s0, s26  }
0x1e: {  	s25 =	sadd.s32 s0, s15;
	s0 =	sadd.s32 s0, s20;
	s22 =	sadd.s32 $0x5800, s23  }
0x1f: {  	s23 =	sadd.s32 $0xF600, s23;
	s1 =	sshrl.u32 s1, $0x3;
	s26 =	sshrl.u32 s25, $0x3  }
0x20: {  	s0 =	sshrl.u32 s0, $0x3;
	s25 =	simm.s32 $0x2;
	s19 =	sadd.s32 s21, s1  }
0x21: {  	v0 =	vimm.f32 $0.0e+00;
	s20 =	sadd.s32 s21, s26;
	s21 =	sadd.s32 s21, s0;
	s26 =	simm.s32 $0x80  }
.LBB2_1:
0x22: {  	s0 =	sand.u32 $0xFE00, s3  }
0x23: {  	s5 =	sand.u32 $0x70, s3;
	s0 =	sshrl.u32 s0, $0x2  }
0x24: {  	s1 =	simm.s32 $0x40;
	s5 =	sor.u32 s5, s0;
	s0 =	simm.s32 $0x0  }
.LBB2_2:
0x25: {  	p1 =	sne.s32 s1, $0x9FC0  }
0x26: {  	[tilespmem:s5+$0x2900] =	vst v0;
	s0 =	sadd.s32 $0x10, s0;
	s5 =	smov.u32 s1;
	s1 =	sadd.s32 $0x40, s1  }
.Ltmp0:
0x27: {  	(pc) =	sbr.rel @p1 .LBB2_2-.Ltmp0, $4  }
0x28: {  	_ = 	snop  }
0x29: {  	s5 =	sand.u32 $0xFE00, s5  }
0x2a: {  	s14 =	sand.u32 $0x70, s0;
	s5 =	sshrl.u32 s5, $0x2  }
0x2b: {  	s5 =	sor.u32 s14, s5  }
0x2c: {  	[tilespmem:s5+$0x2900] =	vst v0  }
0x2d: {  	[spmem:s6] =	stream.linear.scatter [tilespmem:s24], [sflag:$0x2], $0x2800, $0x38;
	[tilespmem:$0x18980] =	vst v63  }
0x2e: {  	_ =	swait.ge [sflag:s25], $0x2800  }
0x2f: {  	[sflag:s25] =	ssyncset.done $0x0  }
0x30: {  	[sflag:s25] =	ssyncadd.s32 $0xFFFFD800  }
0x31: {  	[spmem:s7] =	stream.linear.scatter [tilespmem:s24], [sflag:$0x2], $0x2800, $0x38;
	[tilespmem:$0x18980] =	vst v63  }
0x32: {  	_ =	swait.ge [sflag:s25], $0x2800  }
0x33: {  	[sflag:s25] =	ssyncset.done $0x0  }
0x34: {  	[sflag:s25] =	ssyncadd.s32 $0xFFFFD800  }
0x35: {  	[spmem:s8] =	stream.linear.scatter [tilespmem:s24], [sflag:$0x2], $0x2800, $0x38;
	[tilespmem:$0x18980] =	vst v63  }
0x36: {  	_ =	swait.ge [sflag:s25], $0x2800  }
0x37: {  	[sflag:s25] =	ssyncset.done $0x0  }
0x38: {  	[sflag:s25] =	ssyncadd.s32 $0xFFFFD800  }
0x39: {  	[spmem:s9] =	stream.linear.scatter [tilespmem:s24], [sflag:$0x2], $0x2800, $0x38;
	[tilespmem:$0x18980] =	vst v63  }
0x3a: {  	_ =	swait.ge [sflag:s25], $0x2800  }
0x3b: {  	[sflag:s25] =	ssyncset.done $0x0  }
0x3c: {  	[sflag:s25] =	ssyncadd.s32 $0xFFFFD800  }
0x3d: {  	[spmem:s10] =	stream.linear.scatter [tilespmem:s24], [sflag:$0x2], $0x2800, $0x38;
	[tilespmem:$0x18980] =	vst v63  }
0x3e: {  	_ =	swait.ge [sflag:s25], $0x2800  }
0x3f: {  	[sflag:s25] =	ssyncset.done $0x0  }
0x40: {  	[sflag:s25] =	ssyncadd.s32 $0xFFFFD800  }
0x41: {  	[spmem:s11] =	stream.linear.scatter [tilespmem:s24], [sflag:$0x2], $0x2800, $0x38;
	[tilespmem:$0x18980] =	vst v63  }
0x42: {  	_ =	swait.ge [sflag:s25], $0x2800  }
0x43: {  	[sflag:s25] =	ssyncset.done $0x0  }
0x44: {  	[sflag:s25] =	ssyncadd.s32 $0xFFFFD800  }
0x45: {  	[spmem:s12] =	stream.linear.scatter [tilespmem:s24], [sflag:$0x2], $0x2800, $0x38;
	[tilespmem:$0x18980] =	vst v63  }
0x46: {  	_ =	swait.ge [sflag:s25], $0x2800  }
0x47: {  	[sflag:s25] =	ssyncset.done $0x0  }
0x48: {  	s0 =	simm.s32 @!p0 $0x2900;
	[sflag:s25] =	ssyncadd.s32 $0xFFFFD800  }
0x49: {  	[spmem:s13] =	stream.linear.scatter @!p0 [tilespmem:s0], [sflag:$0x2], $0x2800, $0x38;
	[tilespmem:$0x18980] =	vst v63  }
0x4a: {  	s0 =	simm.s32 @!p0 $0x2  }
0x4b: {  	_ =	swait.ge @!p0 [sflag:s0], $0x2800  }
0x4c: {  	[sflag:s0] =	ssyncset.done @!p0 $0x0  }
0x4d: {  	[sflag:s0] =	ssyncadd.s32 @!p0 $0xFFFFD800  }
0x4e: {  	s14 =	sadd.s32 $0x0, s23;
	[bflag:$0x0] =	sbarrier.arrive $0xFFFF  }
0x4f: {  	[tilespmem:s3], [sflag:$0x2] =	stream.linear.gather [hbm4b:s14+s3], $0x50, $0x38;
	[tilespmem:$0x18980] =	vst v63  }
0x50: {  	_ =	swait.ge [sflag:s25], $0x50  }
0x51: {  	[sflag:s25] =	ssyncset.done $0x0  }
0x52: {  	s15 =	sadd.s32 $0x0, s22;
	[sflag:s25] =	ssyncadd.s32 $0xFFFFFFB0  }
0x53: {  	[tilespmem:s26], [sflag:$0x2] =	stream.linear.gather [hbm4b:s15+s3], $0x50, $0x38;
	[tilespmem:$0x18980] =	vst v63  }
0x54: {  	_ =	swait.ge [sflag:s25], $0x50  }
0x55: {  	[sflag:s25] =	ssyncset.done $0x0  }
0x56: {  	[sflag:s25] =	ssyncadd.s32 $0xFFFFFFB0  }
0x57: {  	[tilespmem:s29], [sflag:$0x1] =	stream.indirect.gather [hbm4b:s4+s28], $0x80, s3, s28, $0xb8;
	[tilespmem:$0x18980] =	vst v63  }
0x58: {  	_ =	swait.ge [sflag:s30], $0x2800  }
0x59: {  	[sflag:s30] =	ssyncset.done $0x0  }
0x5a: {  	[sflag:s30] =	ssyncadd.s32 $0xFFFFD800  }
0x5b: {  	[spmem:s2] =	stream.indirect.scatter.add.f32 [tilespmem:s29], [sflag:$0x2], $0x80, s26, s28, $0xb8;
	[tilespmem:$0x18980] =	vst v63  }
0x5c: {  	_ =	swait.ge [sflag:s25], $0x2800  }
0x5d: {  	s1 =	simm.s32 $0xA;
	s0 =	simm.s32 $0x14;
	[sflag:s25] =	ssyncset.done $0x0  }
.LBB2_4:
0x5e: {  	s5 =	sadd.s32 s1, s23  }
0x5f: {  	[sflag:s25] =	ssyncadd.s32 $0xFFFFD800;
	s14 =	smov.u32 s0;
	s15 =	sadd.s32 $0xA, s0  }
0x60: {  	[tilespmem:s3], [sflag:$0x2] =	stream.linear.gather [hbm4b:s5+s3], $0x50, $0x38;
	[tilespmem:$0x18980] =	vst v63  }
0x61: {  	p1 =	sne.s32 s0, $0x4D8;
	_ =	swait.ge [sflag:s25], $0x50  }
0x62: {  	[sflag:s25] =	ssyncset.done $0x0  }
0x63: {  	s0 =	sadd.s32 s1, s22;
	s1 =	smov.u32 s14;
	[sflag:s25] =	ssyncadd.s32 $0xFFFFFFB0  }
0x64: {  	[tilespmem:s26], [sflag:$0x2] =	stream.linear.gather [hbm4b:s0+s3], $0x50, $0x38;
	[tilespmem:$0x18980] =	vst v63  }
0x65: {  	_ =	swait.ge [sflag:s25], $0x50  }
0x66: {  	[sflag:s25] =	ssyncset.done $0x0  }
0x67: {  	[sflag:s25] =	ssyncadd.s32 $0xFFFFFFB0  }
0x68: {  	[tilespmem:s29], [sflag:$0x1] =	stream.indirect.gather [hbm4b:s4+s28], $0x80, s3, s28, $0xb8;
	[tilespmem:$0x18980] =	vst v63  }
0x69: {  	_ =	swait.ge [sflag:s30], $0x2800  }
.Ltmp1:
0x6a: {  	[sflag:s30] =	ssyncset.done $0x0;
	(pc) =	sbr.rel @p1 .LBB2_4-.Ltmp1, $4  }
0x6b: {  	[sflag:s30] =	ssyncadd.s32 $0xFFFFD800  }
0x6c: {  	[spmem:s2] =	stream.indirect.scatter.add.f32 [tilespmem:s29], [sflag:$0x2], $0x80, s26, s28, $0xb8;
	[tilespmem:$0x18980] =	vst v63  }
0x6d: {  	_ =	swait.ge [sflag:s25], $0x2800  }
0x6e: {  	s0 =	smov.u32 s15;
	[sflag:s25] =	ssyncset.done $0x0  }
0x6f: {  	s0 =	sadd.s32 s1, s23;
	[sflag:s25] =	ssyncadd.s32 $0xFFFFD800  }
0x70: {  	[tilespmem:s3], [sflag:$0x2] =	stream.linear.gather [hbm4b:s0+s3], $0x50, $0x38;
	[tilespmem:$0x18980] =	vst v63  }
0x71: {  	_ =	swait.ge [sflag:s25], $0x50  }
0x72: {  	[sflag:s25] =	ssyncset.done $0x0  }
0x73: {  	s5 =	sadd.s32 s1, s22;
	[sflag:s25] =	ssyncadd.s32 $0xFFFFFFB0  }
0x74: {  	[tilespmem:s26], [sflag:$0x2] =	stream.linear.gather [hbm4b:s5+s3], $0x50, $0x38;
	[tilespmem:$0x18980] =	vst v63  }
0x75: {  	_ =	swait.ge [sflag:s25], $0x50  }
0x76: {  	[sflag:s25] =	ssyncset.done $0x0  }
0x77: {  	[sflag:s25] =	ssyncadd.s32 $0xFFFFFFB0  }
0x78: {  	[tilespmem:s29], [sflag:$0x1] =	stream.indirect.gather [hbm4b:s4+s28], $0x80, s3, s28, $0xb8;
	[tilespmem:$0x18980] =	vst v63  }
0x79: {  	_ =	swait.ge [sflag:s30], $0x2800  }
0x7a: {  	[sflag:s30] =	ssyncset.done $0x0  }
0x7b: {  	[sflag:s30] =	ssyncadd.s32 $0xFFFFD800  }
0x7c: {  	[spmem:s2] =	stream.indirect.scatter.add.f32 [tilespmem:s29], [sflag:$0x2], $0x80, s26, s28, $0xb8;
	[tilespmem:$0x18980] =	vst v63  }
0x7d: {  	_ =	swait.ge [sflag:s25], $0x2800  }
0x7e: {  	[sflag:s25] =	ssyncset.done $0x0  }
0x7f: {  	s14 =	stileid.u32;
	[sflag:s25] =	ssyncadd.s32 $0xFFFFD800  }
0x80: {  	s0 =	sshll.u32 s14, $0x6;
	[bflag:$0x0] =	sbarrier.arrive $0xFFFF  }
0x81: {  	s15 =	sshrl.u32 s6, $0x3;
	s0 =	sor.u32 $0x1C02, s0;
	s5 =	rddreg [dreg:$0x4]  }
0x82: {  	[hbm:s5], [sflag:s0] =	dma.local [spmem:s15], $0x500  }
0x83: {  	_ =	swait.ge [sflag:s25], $0x500  }
0x84: {  	[sflag:s25] =	ssyncset.done $0x0  }
0x85: {  	s14 =	sshrl.u32 s7, $0x3;
	s15 =	rddreg [dreg:$0x5];
	[sflag:s25] =	ssyncadd.s32 $0xFFFFFB00  }
0x86: {  	[hbm:s15], [sflag:s0] =	dma.local [spmem:s14], $0x500  }
0x87: {  	_ =	swait.ge [sflag:s25], $0x500  }
0x88: {  	[sflag:s25] =	ssyncset.done $0x0  }
0x89: {  	s5 =	sshrl.u32 s8, $0x3;
	[sflag:s25] =	ssyncadd.s32 $0xFFFFFB00  }
0x8a: {  	[hbm:s16], [sflag:s0] =	dma.local [spmem:s5], $0x500  }
0x8b: {  	_ =	swait.ge [sflag:s25], $0x500  }
0x8c: {  	[sflag:s25] =	ssyncset.done $0x0  }
0x8d: {  	s14 =	sshrl.u32 s9, $0x3;
	[sflag:s25] =	ssyncadd.s32 $0xFFFFFB00  }
0x8e: {  	[hbm:s17], [sflag:s0] =	dma.local [spmem:s14], $0x500  }
0x8f: {  	_ =	swait.ge [sflag:s25], $0x500  }
0x90: {  	[sflag:s25] =	ssyncset.done $0x0  }
0x91: {  	s15 =	sshrl.u32 s10, $0x3;
	[sflag:s25] =	ssyncadd.s32 $0xFFFFFB00  }
0x92: {  	[hbm:s18], [sflag:s0] =	dma.local [spmem:s15], $0x500  }
0x93: {  	_ =	swait.ge [sflag:s25], $0x500  }
0x94: {  	[sflag:s25] =	ssyncset.done $0x0  }
0x95: {  	s5 =	sshrl.u32 s11, $0x3;
	[sflag:s25] =	ssyncadd.s32 $0xFFFFFB00  }
0x96: {  	[hbm:s19], [sflag:s0] =	dma.local [spmem:s5], $0x500  }
0x97: {  	_ =	swait.ge [sflag:s25], $0x500  }
0x98: {  	[sflag:s25] =	ssyncset.done $0x0  }
0x99: {  	s14 =	sshrl.u32 s12, $0x3;
	[sflag:s25] =	ssyncadd.s32 $0xFFFFFB00  }
0x9a: {  	[hbm:s20], [sflag:s0] =	dma.local [spmem:s14], $0x500  }
0x9b: {  	_ =	swait.ge [sflag:s25], $0x500  }
0x9c: {  	[sflag:s25] =	ssyncset.done $0x0  }
0x9d: {  	s1 =	sshrl.u32 @!p0 s13, $0x3;
	[sflag:s25] =	ssyncadd.s32 $0xFFFFFB00  }
0x9e: {  	[hbm:s21], [sflag:s0] =	dma.local @!p0 [spmem:s1], $0x500  }
0x9f: {  	s0 =	simm.s32 @!p0 $0x2  }
0xa0: {  	_ =	swait.ge @!p0 [sflag:s0], $0x500  }
0xa1: {  	s31 =	sadd.s32 $0x1, s31;
	s15 =	rddreg [dreg:$0x3]  }
0xa2: {  	p1 =	sne.s32 s31, s15  }
.Ltmp2:
0xa3: {  	_ = 	snop;
	(pc) =	sbr.rel @p1 .LBB2_1-.Ltmp2, $3  }
0xa4: {  	_ =	sdelay $0x1  }
0xa5: {  	[sflag:s0] =	ssyncset.done @!p0 $0x0  }
0xa6: {  	[sflag:s0] =	ssyncadd.s32 @!p0 $0xFFFFFB00  }
0xa7: {  	_ =	sfence.sel $0x180000  }
0xa8: {  	[bflag:$0x0] =	sbarrier.arrive $0xFFFF  }
0xa9: {  	_ =	strace $0x9000004A  }
0xaa: {  	s0 =	stileid.u32;
	[bflag:$0x2] =	sbarrier.arrive $0xFFFF  }
0xab: {  	p0 =	sne.s32 s0, $0x0;
	s0 =	rddreg [dreg:$0x2]  }
0xac: {  	s0 =	sadd.s32 @!p0 $0x100000, s0  }
0xad: {  	[sflag:s0] =	ssyncadd.tile.s32 @!p0 $0x1;
	_ =	shalt  }
.Lfunc_end2:
_tile_overlayer_lowered:
.L_overlay_start_2:
0xae: {  	(tag) =	ssettag $0x2  }
0xaf: {  	s0 =	rddreg [dreg:$0x0];
	s2 =	stileid.u32  }
0xb0: {  	s1 =	rddreg [dreg:$0x1];
	p0 =	sne.s32 s2, $0x0  }
0xb1: {  	s3 =	rddreg [dreg:$0x2];
	[bflag:$0x3] =	sbarrier.arrive $0xFFFF;
	s2 =	simm.s32 @!p0 $0x1C02  }
0xb2: {  	[timem:s3], [sflag:s2] =	dma.local @!p0 [hbm:s0], s1  }
0xb3: {  	s0 =	simm.s32 @!p0 $0x2  }
0xb4: {  	_ =	swait.ge @!p0 [sflag:s0], s1  }
0xb5: {  	s1 =	ssub.s32 @!p0 $0x0, s1;
	[sflag:s0] =	ssyncset.done @!p0 $0x0  }
0xb6: {  	[sflag:s0] =	ssyncadd.s32 @!p0 s1  }
0xb7: {  	[bflag:$0x3] =	sbarrier.arrive $0xFFFF  }
0xb8: {  	_ =	shalt  }

// kernel: kernel.15.cloned.1.call-start
scs
__scs_entry_jumppad:
0x0: {  	(pc) =	sbr.rel $0x88, $3  }
0x1: {  	(tag) =	ssettag $0x0;
	lr =	simm.s32 $0x1  }
0x2: {  	[smem:$0x3F7D] =	sst lr;
	_ =	strace $0xD0000000  }
0x3: {  	_ = 	snop  }
0x4: {  	_ = 	snop  }
0x5: {  	_ = 	snop  }
0x6: {  	_ = 	snop  }
0x7: {  	_ = 	snop  }
__scs_overlays_trampoline_lowered:
0x8: {  	[smem:$0x3F8C] =	sst s0  }
0x9: {  	[smem:$0x3F8D] =	sst s1  }
0xa: {  	[smem:$0x3F8E] =	sst s2  }
0xb: {  	[smem:$0x3F8F] =	sst s3  }
0xc: {  	[smem:$0x3F90] =	sst s4  }
0xd: {  	[smem:$0x3F91] =	sst s5  }
0xe: {  	[smem:$0x3F92] =	sst s6  }
0xf: {  	[smem:$0x3F93] =	sst s7  }
0x10: {  	[smem:$0x3F94] =	sst s8  }
0x11: {  	[smem:$0x3F95] =	sst s9;
	s0 =	simm.s32 @!p0 $0x0  }
0x12: {  	s1 =	sld [smem:$0x3F7B];
	s0 =	simm.s32 @p0 $0x1  }
0x13: {  	[smem:$0x3F96] =	sst s0;
	s0 =	simm.s32 @!p1 $0x0  }
0x14: {  	s2 =	sld [smem:$0x3F7A];
	s0 =	simm.s32 @p1 $0x1  }
0x15: {  	[smem:$0x3F97] =	sst s0;
	s0 =	simm.s32 @!p2 $0x0  }
0x16: {  	s3 =	sld [smem:$0x3FDB];
	s0 =	simm.s32 @p2 $0x1  }
0x17: {  	s4 =	simm.s32 $0x1BF5;
	[smem:$0x3F99] =	sst s0  }
0x18: {  	s0 =	sld [smem:$0x3F7C];
	_ =	swait.ge [sflag:s4], $0x0  }
0x19: {  	s7 =	sld [smem:$0x3F7D]  }
0x1a: {  	s8 =	sadd.s32 $0xFFFFE003, lr  }
0x1b: {  	s9 =	sadd.s32 $0xFFFFFEF7, lr;
	s5 =	simm.s32 $0xFFFFFFFF;
	p2 =	slt.u32 s8, $0xFFFFF086  }
0x1c: {  	p1 =	slt.u32 s9, $0xF7A;
	s5 =	simm.s32 @!p2 $0x0  }
0x1d: {  	s5 =	simm.s32 @p1 $0x1;
	p0 =	seq.s32 s7, s2  }
0x1e: {  	s7 =	smul.u32 @!p0 $0xF7A, s2;
	p2 =	seq.s32 @!p0 s5, $0x0  }
0x1f: {  	s9 =	smul.u32 $0xF7A, s1;
	s8 =	simm.s32 @!p0 $0x1BF5;
	p2 =	por !p2, p0  }
0x20: {  	[sflag:s8] =	ssyncset.s32 @!p0 $0xFFFFF086;
	s6 =	sadd.s32 @!p0 s3, s7;
	s7 =	simm.s32 @!p0 $0x108  }
0x21: {  	s3 =	sadd.s32 s3, s9;
	s6 =	sadd.s32 @!p0 $0x88, s6;
	s7 =	simm.s32 @p2 $0x1082  }
0x22: {  	[simem:s7], [sflag:s8] =	dma.local @!p0 [hbm:s6], $0xF7A  }
0x23: {  	s9 =	sor.u32 $0xD0000000, s2;
	s6 =	simm.s32 $0x108;
	_ =	swait.ge @!p0 [sflag:s8], $0x0  }
0x24: {  	s3 =	sadd.s32 $0x88, s3;
	s6 =	simm.s32 @!p1 $0x1082;
	[sflag:s4] =	ssyncset.s32 $0xFFFFF086  }
0x25: {  	[simem:s6], [sflag:s4] =	dma.local [hbm:s3], $0xF7A  }
0x26: {  	[smem:$0x3F7D] =	sst s1;
	(tag) =	ssettag s2;
	_ =	strace s9  }
0x27: {  	s1 =	sld [smem:$0x3F8D]  }
0x28: {  	s2 =	sld [smem:$0x3F8E]  }
0x29: {  	s4 =	sld [smem:$0x3F90]  }
0x2a: {  	p0 =	seq.s32 s5, $0x0;
	s5 =	sld [smem:$0x3F91]  }
0x2b: {  	s6 =	sld [smem:$0x3F92]  }
0x2c: {  	s7 =	sld [smem:$0x3F93]  }
0x2d: {  	s3 =	simm.s32 $0x108;
	s8 =	sld [smem:$0x3F94]  }
0x2e: {  	s3 =	simm.s32 @!p0 $0x1082;
	s9 =	sld [smem:$0x3F95]  }
0x2f: {  	lr =	sadd.s32 s0, s3;
	s0 =	sld [smem:$0x3F8C]  }
0x30: {  	s3 =	sld [smem:$0x3F8F]  }
0x31: {  	[smem:$0x3F98] =	sst s10  }
0x32: {  	s10 =	sld [smem:$0x3F96];
	_ =	sdelay $0x3  }
0x33: {  	p0 =	seq.s32 s10, $0x1;
	s10 =	sld [smem:$0x3F98];
	_ =	sdelay $0x3  }
0x34: {  	[smem:$0x3F98] =	sst s10  }
0x35: {  	s10 =	sld [smem:$0x3F97];
	_ =	sdelay $0x3  }
0x36: {  	p1 =	seq.s32 s10, $0x1;
	s10 =	sld [smem:$0x3F98];
	_ =	sdelay $0x3  }
0x37: {  	[smem:$0x3F98] =	sst s10  }
0x38: {  	s10 =	sld [smem:$0x3F99]  }
0x39: {  	_ = 	snop;
	(pc) =	sbr.ind lr, $3  }
0x3a: {  	_ = 	snop  }
0x3b: {  	_ = 	snop  }
0x3c: {  	p2 =	seq.s32 s10, $0x1;
	s10 =	sld [smem:$0x3F98]  }
0x3d: {  	_ =	shalt  }
0x3e: {  	_ =	shalt  }
0x3f: {  	_ =	shalt  }
0x40: {  	_ =	shalt  }
0x41: {  	_ =	shalt  }
0x42: {  	_ =	shalt  }
0x43: {  	_ =	shalt  }
0x44: {  	_ =	shalt  }
0x45: {  	_ =	shalt  }
0x46: {  	_ =	shalt  }
0x47: {  	_ =	shalt  }
0x48: {  	_ =	shalt  }
0x49: {  	_ =	shalt  }
0x4a: {  	_ =	shalt  }
0x4b: {  	_ =	shalt  }
0x4c: {  	_ =	shalt  }
0x4d: {  	_ =	shalt  }
0x4e: {  	_ =	shalt  }
0x4f: {  	_ =	shalt  }
0x50: {  	_ =	shalt  }
0x51: {  	_ =	shalt  }
0x52: {  	_ =	shalt  }
0x53: {  	_ =	shalt  }
0x54: {  	_ =	shalt  }
0x55: {  	_ =	shalt  }
0x56: {  	_ =	shalt  }
0x57: {  	_ =	shalt  }
0x58: {  	_ =	shalt  }
0x59: {  	_ =	shalt  }
0x5a: {  	_ =	shalt  }
0x5b: {  	_ =	shalt  }
0x5c: {  	_ =	shalt  }
0x5d: {  	_ =	shalt  }
0x5e: {  	_ =	shalt  }
0x5f: {  	_ =	shalt  }
0x60: {  	_ =	shalt  }
0x61: {  	_ =	shalt  }
0x62: {  	_ =	shalt  }
0x63: {  	_ =	shalt  }
0x64: {  	_ =	shalt  }
0x65: {  	_ =	shalt  }
0x66: {  	_ =	shalt  }
0x67: {  	_ =	shalt  }
0x68: {  	_ =	shalt  }
0x69: {  	_ =	shalt  }
0x6a: {  	_ =	shalt  }
0x6b: {  	_ =	shalt  }
0x6c: {  	_ =	shalt  }
0x6d: {  	_ =	shalt  }
0x6e: {  	_ =	shalt  }
0x6f: {  	_ =	shalt  }
0x70: {  	_ =	shalt  }
0x71: {  	_ =	shalt  }
0x72: {  	_ =	shalt  }
0x73: {  	_ =	shalt  }
0x74: {  	_ =	shalt  }
0x75: {  	_ =	shalt  }
0x76: {  	_ =	shalt  }
0x77: {  	_ =	shalt  }
0x78: {  	_ =	shalt  }
0x79: {  	_ =	shalt  }
0x7a: {  	_ =	shalt  }
0x7b: {  	_ =	shalt  }
0x7c: {  	_ =	shalt  }
0x7d: {  	_ =	shalt  }
0x7e: {  	_ =	shalt  }
0x7f: {  	_ =	shalt  }
0x80: {  	_ =	shalt  }
0x81: {  	_ =	shalt  }
0x82: {  	_ =	shalt  }
0x83: {  	_ =	shalt  }
0x84: {  	_ =	shalt  }
0x85: {  	_ =	shalt  }
0x86: {  	_ =	shalt  }
0x87: {  	_ =	shalt  }
.Lfunc_end0:
.L_simem_size_0:
called_computation.2_lowered:
.L_overlay_start_0:
0x88: {  	s2 =	sld [smem:$0x3FD9]  }
0x89: {  	s3 =	sld [smem:$0x3FFE];
	_ =	sdelay $0x1  }
0x8a: {  	s1 =	srdreg.scid  }
0x8b: {  	s0 =	sand.u32 $0x1, s1  }
0x8c: {  	s16 =	sshll.u32 s0, $0xA;
	s2 =	sadd.s32 s3, s2  }
0x8d: {  	s2 =	sadd.s32 s2, s16  }
0x8e: {  	[smem:$0x3FA4] =	sst s2  }
0x8f: {  	_ = 	snop  }
0x90: {  	(tm) =	ssettm $0x1  }
0x91: {  	s17 =	sld [smem:$0x3FFB];
	_ =	sdelay $0x3  }
0x92: {  	_ =	strace s17  }
0x93: {  	s2 =	sld [smem:$0x3FFC];
	_ =	sdelay $0x3  }
0x94: {  	_ =	strace s2  }
0x95: {  	s2 =	sld [smem:$0x3FFD];
	_ =	sdelay $0x3  }
0x96: {  	_ =	strace s2  }
0x97: {  	_ =	strace $0x8FFFFFFF  }
0x98: {  	s18 =	sld [smem:$0x3FDB];
	_ =	sdelay $0x1  }
0x99: {  	s19 =	simm.s32 $_scs_section_size  }
0x9a: {  	s4 =	simm.s32 $_size__tile_overlayer_lowered;
	s5 =	simm.s32 $_tile_overlayer_lowered  }
0x9b: {  	s22 =	simm.s32 $0x1BFF;
	s21 =	sshll.u32 s5, $0x1;
	s2 =	sadd.s32 s19, s18  }
0x9c: {  	s6 =	simm.s32 $0x0;
	s20 =	sshll.u32 s4, $0x1;
	s4 =	sadd.s32 s21, s2  }
0x9d: {  	[timem:s6], [sflag:s22] =	dma.local [hbm:s4], s20  }
0x9e: {  	_ =	swait.ge [sflag:s22], s20  }
0x9f: {  	s3 =	ssub.s32 $0x0, s20;
	[sflag:s22] =	ssyncset.done $0x0  }
0xa0: {  	[sflag:s22] =	ssyncadd.s32 s3;
	_ =	sdelay $0x1  }
0xa1: {  	s23 =	simm.s32 $0x1B8B  }
0xa2: {  	_ =	swait.ge [sflag:s23], $0x1  }
0xa3: {  	[sflag:s23] =	ssyncset.done $0x0  }
0xa4: {  	s25 =	simm.s32 $0x1B8E;
	s24 =	sld [smem:$0x3FFE];
	[sflag:s23] =	ssyncadd.s32 $0xFFFFFFFF  }
0xa5: {  	s26 =	simm.s32 $execute0_lowered;
	[smem:$0x3FD2] =	sst s25  }
0xa6: {  	s4 =	sshll.u32 s26, $0x1;
	_ =	strace $0x8000004C;
	[dreg:$0x1] =	wrdreg $0xFFFFFFFF  }
0xa7: {  	s28 =	simm.s32 $_size_execute0_lowered;
	s2 =	sadd.s32 s2, s4;
	[dreg:$0x0] =	wrdreg $0x0  }
0xa8: {  	s4 =	sshll.u32 s28, $0x1;
	[dreg:$0x2] =	wrdreg s2  }
0xa9: {  	[dreg:$0x3] =	wrdreg s4  }
0xaa: {  	[dreg:$0x4] =	wrdreg $0xC0  }
0xab: {  	_ =	task [dreg:s6], $0x5FFFF  }
0xac: {  	[dreg:$0x1] =	wrdreg $0xFFFFFFFF  }
0xad: {  	[dreg:$0x0] =	wrdreg $0x60  }
0xae: {  	[dreg:$0x2] =	wrdreg s24  }
0xaf: {  	[dreg:$0x3] =	wrdreg $0x51000  }
0xb0: {  	[dreg:$0x4] =	wrdreg $0x9  }
0xb1: {  	_ =	task.clear_ibuf [dreg:s6], $0x5FFFF;
	_ =	strace $0x9000004C  }
0xb2: {  	s29 =	simm.s32 $0x9;
	_ =	strace $0x8000004E  }
0xb3: {  	_ =	swait.ge [sflag:s29], $0x1  }
0xb4: {  	[sflag:s29] =	ssyncadd.s32 $0xFFFFFFFF  }
0xb5: {  	_ =	strace $0x9000004E  }
0xb6: {  	_ =	sfence  }
0xb7: {  	s30 =	sld [smem:$0x0];
	_ =	sdelay $0x2  }
0xb8: {  	s31 =	sshll.u32 s1, $0xD;
	s1 =	sshrl.u32 s1, $0x2  }
0xb9: {  	s3 =	sand.u32 $0x4000, s31;
	s1 =	sadd.s32 s1, s30  }
0xba: {  	s0 =	sor.u32 s3, s0;
	s1 =	sshll.u32 s1, $0x11  }
0xbb: {  	s0 =	sor.u32 s1, s0  }
0xbc: {  	s0 =	sadd.s32 $0x8F2B, s0  }
0xbd: {  	[sflag:s0] =	ssyncadd.remote.s32 $0x1  }
0xbe: {  	_ =	sfence.sel $0xFFFF  }
0xbf: {  	[dreg:$0x0] =	wrdreg $0xFFFFFFFF;
	(pc) =	sbr.abs _section_cstart, $3  }
0xc0: {  	[dreg:$0x1] =	wrdreg $0xFFFFFFFF  }
0xc1: {  	_ =	task.clear_ibuf [dreg:s6], $0x2FFFF;
	_ =	strace $0x9FFFFFFF  }
0xc2: {  	(tm) =	ssettm $0x7FFFFFFF  }
0xc3: {  	_ =	shalt  }
tec
execute0_lowered:
.L_overlay_start_1:
0x0: {  	(tag) =	ssettag $0x1  }
0x1: {  	s14 =	stileid.u32  }
0x2: {  	s0 =	srdreg.scid;
	s4 =	smul.u32 $0x4E20, s14  }
0x3: {  	s1 =	rddreg [dreg:$0x0];
	s0 =	sand.u32 $0x1, s0;
	s7 =	smul.u32 $0xA000, s14  }
0x4: {  	s2 =	rddreg [dreg:$0x1];
	s12 =	sor.u32 $0x10, s14;
	s5 =	smul.u32 $0x2710, s0  }
0x5: {  	s3 =	simm.s32 $0x0;
	s28 =	simm.s32 $0x50;
	s20 =	smul.u32 $0xA000, s12  }
0x6: {  	s22 =	sor.u32 $0x20, s14;
	s18 =	ssub.s32 $0x2, s0;
	s0 =	smul.u32 $0x138800, s0  }
0x7: {  	s29 =	simm.s32 $0x100;
	s26 =	sor.u32 $0x30, s14;
	s8 =	smul.u32 $0xA000, s22  }
0x8: {  	s30 =	simm.s32 $0x1;
	s15 =	sor.u32 $0x40, s14;
	s9 =	smul.u32 $0xA000, s26  }
0x9: {  	s31 =	simm.s32 $0x0;
	s17 =	sor.u32 $0x50, s14;
	s10 =	smul.u32 $0xA000, s15  }
0xa: {  	[smem:$0x7FF] =	sst s3;
	s24 =	sor.u32 $0x70, s14;
	s11 =	smul.u32 $0xA000, s17  }
0xb: {  	s21 =	sadd.s32 $0x40600, s1;
	_ =	strace $0x8000004D;
	s16 =	smul.u32 $0xA000, s24  }
0xc: {  	p0 =	sgt.u32 s24, $0x7C;
	s6 =	sshrl.u32 s18, $0x1;
	s25 =	sshrl.u32 s7, $0x2  }
0xd: {  	s4 =	sadd.s32 s5, s4;
	s19 =	ssub.s32 s18, s6;
	s6 =	sadd.s32 s25, s2  }
0xe: {  	s8 =	sshrl.u32 s8, $0x2;
	s9 =	sshrl.u32 s9, $0x2;
	s18 =	sor.u32 $0x60, s14  }
0xf: {  	s10 =	sshrl.u32 s10, $0x2;
	s11 =	sshrl.u32 s11, $0x2;
	s14 =	smul.u32 $0x2800, s14  }
0x10: {  	s16 =	sshrl.u32 s16, $0x2;
	s5 =	sshrl.u32 s4, $0x3;
	s4 =	sadd.s32 $0x19400, s1  }
0x11: {  	s8 =	sadd.s32 s8, s2;
	s9 =	sadd.s32 s9, s2;
	s13 =	smul.u32 $0xA000, s18  }
0x12: {  	s23 =	sadd.s32 s5, s1;
	s1 =	smax.u32 s19, $0x1;
	s19 =	smul.u32 $0x2800, s12  }
0x13: {  	s5 =	sshrl.u32 s20, $0x2;
	[dreg:$0x3] =	wrdreg s1;
	s1 =	smul.u32 $0x2800, s22  }
0x14: {  	s10 =	sadd.s32 s10, s2;
	s7 =	sadd.s32 s5, s2;
	s5 =	smul.u32 $0x2800, s26  }
0x15: {  	s11 =	sadd.s32 s11, s2;
	s14 =	sadd.s32 s0, s14;
	s22 =	smul.u32 $0x2800, s15  }
0x16: {  	s13 =	sshrl.u32 s13, $0x2;
	s14 =	sshrl.u32 s14, $0x3;
	s26 =	smul.u32 $0x2800, s17  }
0x17: {  	s15 =	smul.u32 $0x2800, s18;
	s12 =	sadd.s32 s13, s2;
	s14 =	sadd.s32 s21, s14  }
0x18: {  	s13 =	sadd.s32 s16, s2;
	s20 =	sadd.s32 s0, s19;
	[dreg:$0x4] =	wrdreg s14  }
0x19: {  	s1 =	sadd.s32 s0, s1;
	s16 =	sshrl.u32 s20, $0x3;
	s5 =	sadd.s32 s0, s5  }
0x1a: {  	s14 =	sadd.s32 s0, s22;
	s20 =	smul.u32 $0x2800, s24;
	s24 =	simm.s32 $0x2900  }
0x1b: {  	s1 =	sshrl.u32 s1, $0x3;
	s25 =	sadd.s32 s21, s16;
	s5 =	sshrl.u32 s5, $0x3  }
0x1c: {  	s22 =	sshrl.u32 s14, $0x3;
	[dreg:$0x5] =	wrdreg s25;
	s16 =	sadd.s32 s21, s1  }
0x1d: {  	s17 =	sadd.s32 s21, s5;
	s18 =	sadd.s32 s21, s22;
	s1 =	sadd.s32 s0, s26  }
0x1e: {  	s25 =	sadd.s32 s0, s15;
	s0 =	sadd.s32 s0, s20;
	s22 =	sadd.s32 $0x5800, s23  }
0x1f: {  	s23 =	sadd.s32 $0xF600, s23;
	s1 =	sshrl.u32 s1, $0x3;
	s26 =	sshrl.u32 s25, $0x3  }
0x20: {  	s0 =	sshrl.u32 s0, $0x3;
	s25 =	simm.s32 $0x2;
	s19 =	sadd.s32 s21, s1  }
0x21: {  	v0 =	vimm.f32 $0.0e+00;
	s20 =	sadd.s32 s21, s26;
	s21 =	sadd.s32 s21, s0;
	s26 =	simm.s32 $0x80  }
.LBB2_1:
0x22: {  	s0 =	sand.u32 $0xFE00, s3  }
0x23: {  	s5 =	sand.u32 $0x70, s3;
	s0 =	sshrl.u32 s0, $0x2  }
0x24: {  	s1 =	simm.s32 $0x40;
	s5 =	sor.u32 s5, s0;
	s0 =	simm.s32 $0x0  }
.LBB2_2:
0x25: {  	p1 =	sne.s32 s1, $0x9FC0  }
0x26: {  	[tilespmem:s5+$0x2900] =	vst v0;
	s0 =	sadd.s32 $0x10, s0;
	s5 =	smov.u32 s1;
	s1 =	sadd.s32 $0x40, s1  }
.Ltmp0:
0x27: {  	(pc) =	sbr.rel @p1 .LBB2_2-.Ltmp0, $4  }
0x28: {  	_ = 	snop  }
0x29: {  	s5 =	sand.u32 $0xFE00, s5  }
0x2a: {  	s14 =	sand.u32 $0x70, s0;
	s5 =	sshrl.u32 s5, $0x2  }
0x2b: {  	s5 =	sor.u32 s14, s5  }
0x2c: {  	[tilespmem:s5+$0x2900] =	vst v0  }
0x2d: {  	[spmem:s6] =	stream.linear.scatter [tilespmem:s24], [sflag:$0x2], $0x2800, $0x38;
	[tilespmem:$0x18980] =	vst v63  }
0x2e: {  	_ =	swait.ge [sflag:s25], $0x2800  }
0x2f: {  	[sflag:s25] =	ssyncset.done $0x0  }
0x30: {  	[sflag:s25] =	ssyncadd.s32 $0xFFFFD800  }
0x31: {  	[spmem:s7] =	stream.linear.scatter [tilespmem:s24], [sflag:$0x2], $0x2800, $0x38;
	[tilespmem:$0x18980] =	vst v63  }
0x32: {  	_ =	swait.ge [sflag:s25], $0x2800  }
0x33: {  	[sflag:s25] =	ssyncset.done $0x0  }
0x34: {  	[sflag:s25] =	ssyncadd.s32 $0xFFFFD800  }
0x35: {  	[spmem:s8] =	stream.linear.scatter [tilespmem:s24], [sflag:$0x2], $0x2800, $0x38;
	[tilespmem:$0x18980] =	vst v63  }
0x36: {  	_ =	swait.ge [sflag:s25], $0x2800  }
0x37: {  	[sflag:s25] =	ssyncset.done $0x0  }
0x38: {  	[sflag:s25] =	ssyncadd.s32 $0xFFFFD800  }
0x39: {  	[spmem:s9] =	stream.linear.scatter [tilespmem:s24], [sflag:$0x2], $0x2800, $0x38;
	[tilespmem:$0x18980] =	vst v63  }
0x3a: {  	_ =	swait.ge [sflag:s25], $0x2800  }
0x3b: {  	[sflag:s25] =	ssyncset.done $0x0  }
0x3c: {  	[sflag:s25] =	ssyncadd.s32 $0xFFFFD800  }
0x3d: {  	[spmem:s10] =	stream.linear.scatter [tilespmem:s24], [sflag:$0x2], $0x2800, $0x38;
	[tilespmem:$0x18980] =	vst v63  }
0x3e: {  	_ =	swait.ge [sflag:s25], $0x2800  }
0x3f: {  	[sflag:s25] =	ssyncset.done $0x0  }
0x40: {  	[sflag:s25] =	ssyncadd.s32 $0xFFFFD800  }
0x41: {  	[spmem:s11] =	stream.linear.scatter [tilespmem:s24], [sflag:$0x2], $0x2800, $0x38;
	[tilespmem:$0x18980] =	vst v63  }
0x42: {  	_ =	swait.ge [sflag:s25], $0x2800  }
0x43: {  	[sflag:s25] =	ssyncset.done $0x0  }
0x44: {  	[sflag:s25] =	ssyncadd.s32 $0xFFFFD800  }
0x45: {  	[spmem:s12] =	stream.linear.scatter [tilespmem:s24], [sflag:$0x2], $0x2800, $0x38;
	[tilespmem:$0x18980] =	vst v63  }
0x46: {  	_ =	swait.ge [sflag:s25], $0x2800  }
0x47: {  	[sflag:s25] =	ssyncset.done $0x0  }
0x48: {  	s0 =	simm.s32 @!p0 $0x2900;
	[sflag:s25] =	ssyncadd.s32 $0xFFFFD800  }
0x49: {  	[spmem:s13] =	stream.linear.scatter @!p0 [tilespmem:s0], [sflag:$0x2], $0x2800, $0x38;
	[tilespmem:$0x18980] =	vst v63  }
0x4a: {  	s0 =	simm.s32 @!p0 $0x2  }
0x4b: {  	_ =	swait.ge @!p0 [sflag:s0], $0x2800  }
0x4c: {  	[sflag:s0] =	ssyncset.done @!p0 $0x0  }
0x4d: {  	[sflag:s0] =	ssyncadd.s32 @!p0 $0xFFFFD800  }
0x4e: {  	s14 =	sadd.s32 $0x0, s23;
	[bflag:$0x0] =	sbarrier.arrive $0xFFFF  }
0x4f: {  	[tilespmem:s3], [sflag:$0x2] =	stream.linear.gather [hbm4b:s14+s3], $0x50, $0x38;
	[tilespmem:$0x18980] =	vst v63  }
0x50: {  	_ =	swait.ge [sflag:s25], $0x50  }
0x51: {  	[sflag:s25] =	ssyncset.done $0x0  }
0x52: {  	s15 =	sadd.s32 $0x0, s22;
	[sflag:s25] =	ssyncadd.s32 $0xFFFFFFB0  }
0x53: {  	[tilespmem:s26], [sflag:$0x2] =	stream.linear.gather [hbm4b:s15+s3], $0x50, $0x38;
	[tilespmem:$0x18980] =	vst v63  }
0x54: {  	_ =	swait.ge [sflag:s25], $0x50  }
0x55: {  	[sflag:s25] =	ssyncset.done $0x0  }
0x56: {  	[sflag:s25] =	ssyncadd.s32 $0xFFFFFFB0  }
0x57: {  	[tilespmem:s29], [sflag:$0x1] =	stream.indirect.gather [hbm4b:s4+s28], $0x80, s3, s28, $0xb8;
	[tilespmem:$0x18980] =	vst v63  }
0x58: {  	_ =	swait.ge [sflag:s30], $0x2800  }
0x59: {  	[sflag:s30] =	ssyncset.done $0x0  }
0x5a: {  	[sflag:s30] =	ssyncadd.s32 $0xFFFFD800  }
0x5b: {  	[spmem:s2] =	stream.indirect.scatter.add.f32 [tilespmem:s29], [sflag:$0x2], $0x80, s26, s28, $0xb8;
	[tilespmem:$0x18980] =	vst v63  }
0x5c: {  	_ =	swait.ge [sflag:s25], $0x2800  }
0x5d: {  	s1 =	simm.s32 $0xA;
	s0 =	simm.s32 $0x14;
	[sflag:s25] =	ssyncset.done $0x0  }
.LBB2_4:
0x5e: {  	s5 =	sadd.s32 s1, s23  }
0x5f: {  	[sflag:s25] =	ssyncadd.s32 $0xFFFFD800;
	s14 =	smov.u32 s0;
	s15 =	sadd.s32 $0xA, s0  }
0x60: {  	[tilespmem:s3], [sflag:$0x2] =	stream.linear.gather [hbm4b:s5+s3], $0x50, $0x38;
	[tilespmem:$0x18980] =	vst v63  }
0x61: {  	p1 =	sne.s32 s0, $0x4D8;
	_ =	swait.ge [sflag:s25], $0x50  }
0x62: {  	[sflag:s25] =	ssyncset.done $0x0  }
0x63: {  	s0 =	sadd.s32 s1, s22;
	s1 =	smov.u32 s14;
	[sflag:s25] =	ssyncadd.s32 $0xFFFFFFB0  }
0x64: {  	[tilespmem:s26], [sflag:$0x2] =	stream.linear.gather [hbm4b:s0+s3], $0x50, $0x38;
	[tilespmem:$0x18980] =	vst v63  }
0x65: {  	_ =	swait.ge [sflag:s25], $0x50  }
0x66: {  	[sflag:s25] =	ssyncset.done $0x0  }
0x67: {  	[sflag:s25] =	ssyncadd.s32 $0xFFFFFFB0  }
0x68: {  	[tilespmem:s29], [sflag:$0x1] =	stream.indirect.gather [hbm4b:s4+s28], $0x80, s3, s28, $0xb8;
	[tilespmem:$0x18980] =	vst v63  }
0x69: {  	_ =	swait.ge [sflag:s30], $0x2800  }
.Ltmp1:
0x6a: {  	[sflag:s30] =	ssyncset.done $0x0;
	(pc) =	sbr.rel @p1 .LBB2_4-.Ltmp1, $4  }
0x6b: {  	[sflag:s30] =	ssyncadd.s32 $0xFFFFD800  }
0x6c: {  	[spmem:s2] =	stream.indirect.scatter.add.f32 [tilespmem:s29], [sflag:$0x2], $0x80, s26, s28, $0xb8;
	[tilespmem:$0x18980] =	vst v63  }
0x6d: {  	_ =	swait.ge [sflag:s25], $0x2800  }
0x6e: {  	s0 =	smov.u32 s15;
	[sflag:s25] =	ssyncset.done $0x0  }
0x6f: {  	s0 =	sadd.s32 s1, s23;
	[sflag:s25] =	ssyncadd.s32 $0xFFFFD800  }
0x70: {  	[tilespmem:s3], [sflag:$0x2] =	stream.linear.gather [hbm4b:s0+s3], $0x50, $0x38;
	[tilespmem:$0x18980] =	vst v63  }
0x71: {  	_ =	swait.ge [sflag:s25], $0x50  }
0x72: {  	[sflag:s25] =	ssyncset.done $0x0  }
0x73: {  	s5 =	sadd.s32 s1, s22;
	[sflag:s25] =	ssyncadd.s32 $0xFFFFFFB0  }
0x74: {  	[tilespmem:s26], [sflag:$0x2] =	stream.linear.gather [hbm4b:s5+s3], $0x50, $0x38;
	[tilespmem:$0x18980] =	vst v63  }
0x75: {  	_ =	swait.ge [sflag:s25], $0x50  }
0x76: {  	[sflag:s25] =	ssyncset.done $0x0  }
0x77: {  	[sflag:s25] =	ssyncadd.s32 $0xFFFFFFB0  }
0x78: {  	[tilespmem:s29], [sflag:$0x1] =	stream.indirect.gather [hbm4b:s4+s28], $0x80, s3, s28, $0xb8;
	[tilespmem:$0x18980] =	vst v63  }
0x79: {  	_ =	swait.ge [sflag:s30], $0x2800  }
0x7a: {  	[sflag:s30] =	ssyncset.done $0x0  }
0x7b: {  	[sflag:s30] =	ssyncadd.s32 $0xFFFFD800  }
0x7c: {  	[spmem:s2] =	stream.indirect.scatter.add.f32 [tilespmem:s29], [sflag:$0x2], $0x80, s26, s28, $0xb8;
	[tilespmem:$0x18980] =	vst v63  }
0x7d: {  	_ =	swait.ge [sflag:s25], $0x2800  }
0x7e: {  	[sflag:s25] =	ssyncset.done $0x0  }
0x7f: {  	s14 =	stileid.u32;
	[sflag:s25] =	ssyncadd.s32 $0xFFFFD800  }
0x80: {  	s0 =	sshll.u32 s14, $0x6;
	[bflag:$0x0] =	sbarrier.arrive $0xFFFF  }
0x81: {  	s15 =	sshrl.u32 s6, $0x3;
	s0 =	sor.u32 $0x1C02, s0;
	s5 =	rddreg [dreg:$0x4]  }
0x82: {  	[hbm:s5], [sflag:s0] =	dma.local [spmem:s15], $0x500  }
0x83: {  	_ =	swait.ge [sflag:s25], $0x500  }
0x84: {  	[sflag:s25] =	ssyncset.done $0x0  }
0x85: {  	s14 =	sshrl.u32 s7, $0x3;
	s15 =	rddreg [dreg:$0x5];
	[sflag:s25] =	ssyncadd.s32 $0xFFFFFB00  }
0x86: {  	[hbm:s15], [sflag:s0] =	dma.local [spmem:s14], $0x500  }
0x87: {  	_ =	swait.ge [sflag:s25], $0x500  }
0x88: {  	[sflag:s25] =	ssyncset.done $0x0  }
0x89: {  	s5 =	sshrl.u32 s8, $0x3;
	[sflag:s25] =	ssyncadd.s32 $0xFFFFFB00  }
0x8a: {  	[hbm:s16], [sflag:s0] =	dma.local [spmem:s5], $0x500  }
0x8b: {  	_ =	swait.ge [sflag:s25], $0x500  }
0x8c: {  	[sflag:s25] =	ssyncset.done $0x0  }
0x8d: {  	s14 =	sshrl.u32 s9, $0x3;
	[sflag:s25] =	ssyncadd.s32 $0xFFFFFB00  }
0x8e: {  	[hbm:s17], [sflag:s0] =	dma.local [spmem:s14], $0x500  }
0x8f: {  	_ =	swait.ge [sflag:s25], $0x500  }
0x90: {  	[sflag:s25] =	ssyncset.done $0x0  }
0x91: {  	s15 =	sshrl.u32 s10, $0x3;
	[sflag:s25] =	ssyncadd.s32 $0xFFFFFB00  }
0x92: {  	[hbm:s18], [sflag:s0] =	dma.local [spmem:s15], $0x500  }
0x93: {  	_ =	swait.ge [sflag:s25], $0x500  }
0x94: {  	[sflag:s25] =	ssyncset.done $0x0  }
0x95: {  	s5 =	sshrl.u32 s11, $0x3;
	[sflag:s25] =	ssyncadd.s32 $0xFFFFFB00  }
0x96: {  	[hbm:s19], [sflag:s0] =	dma.local [spmem:s5], $0x500  }
0x97: {  	_ =	swait.ge [sflag:s25], $0x500  }
0x98: {  	[sflag:s25] =	ssyncset.done $0x0  }
0x99: {  	s14 =	sshrl.u32 s12, $0x3;
	[sflag:s25] =	ssyncadd.s32 $0xFFFFFB00  }
0x9a: {  	[hbm:s20], [sflag:s0] =	dma.local [spmem:s14], $0x500  }
0x9b: {  	_ =	swait.ge [sflag:s25], $0x500  }
0x9c: {  	[sflag:s25] =	ssyncset.done $0x0  }
0x9d: {  	s1 =	sshrl.u32 @!p0 s13, $0x3;
	[sflag:s25] =	ssyncadd.s32 $0xFFFFFB00  }
0x9e: {  	[hbm:s21], [sflag:s0] =	dma.local @!p0 [spmem:s1], $0x500  }
0x9f: {  	s0 =	simm.s32 @!p0 $0x2  }
0xa0: {  	_ =	swait.ge @!p0 [sflag:s0], $0x500  }
0xa1: {  	s31 =	sadd.s32 $0x1, s31;
	s15 =	rddreg [dreg:$0x3]  }
0xa2: {  	p1 =	sne.s32 s31, s15  }
.Ltmp2:
0xa3: {  	_ = 	snop;
	(pc) =	sbr.rel @p1 .LBB2_1-.Ltmp2, $3  }
0xa4: {  	_ =	sdelay $0x1  }
0xa5: {  	[sflag:s0] =	ssyncset.done @!p0 $0x0  }
0xa6: {  	[sflag:s0] =	ssyncadd.s32 @!p0 $0xFFFFFB00  }
0xa7: {  	_ =	sfence.sel $0x180000  }
0xa8: {  	[bflag:$0x0] =	sbarrier.arrive $0xFFFF  }
0xa9: {  	_ =	strace $0x9000004D  }
0xaa: {  	s0 =	stileid.u32;
	[bflag:$0x2] =	sbarrier.arrive $0xFFFF  }
0xab: {  	p0 =	sne.s32 s0, $0x0;
	s0 =	rddreg [dreg:$0x2]  }
0xac: {  	s0 =	sadd.s32 @!p0 $0x100000, s0  }
0xad: {  	[sflag:s0] =	ssyncadd.tile.s32 @!p0 $0x1;
	_ =	shalt  }
.Lfunc_end2:
_tile_overlayer_lowered:
.L_overlay_start_2:
0xae: {  	(tag) =	ssettag $0x2  }
0xaf: {  	s0 =	rddreg [dreg:$0x0];
	s2 =	stileid.u32  }
0xb0: {  	s1 =	rddreg [dreg:$0x1];
	p0 =	sne.s32 s2, $0x0  }
0xb1: {  	s3 =	rddreg [dreg:$0x2];
	[bflag:$0x3] =	sbarrier.arrive $0xFFFF;
	s2 =	simm.s32 @!p0 $0x1C02  }
0xb2: {  	[timem:s3], [sflag:s2] =	dma.local @!p0 [hbm:s0], s1  }
0xb3: {  	s0 =	simm.s32 @!p0 $0x2  }
0xb4: {  	_ =	swait.ge @!p0 [sflag:s0], s1  }
0xb5: {  	s1 =	ssub.s32 @!p0 $0x0, s1;
	[sflag:s0] =	ssyncset.done @!p0 $0x0  }
0xb6: {  	[sflag:s0] =	ssyncadd.s32 @!p0 s1  }
0xb7: {  	[bflag:$0x3] =	sbarrier.arrive $0xFFFF  }
0xb8: {  	_ =	shalt  }

// kernel: kernel.9.cloned.1.call-start
scs
__scs_entry_jumppad:
0x0: {  	(pc) =	sbr.rel $0x88, $3  }
0x1: {  	(tag) =	ssettag $0x0;
	lr =	simm.s32 $0x1  }
0x2: {  	[smem:$0x3F7D] =	sst lr;
	_ =	strace $0xD0000000  }
0x3: {  	_ = 	snop  }
0x4: {  	_ = 	snop  }
0x5: {  	_ = 	snop  }
0x6: {  	_ = 	snop  }
0x7: {  	_ = 	snop  }
__scs_overlays_trampoline_lowered:
0x8: {  	[smem:$0x3F8C] =	sst s0  }
0x9: {  	[smem:$0x3F8D] =	sst s1  }
0xa: {  	[smem:$0x3F8E] =	sst s2  }
0xb: {  	[smem:$0x3F8F] =	sst s3  }
0xc: {  	[smem:$0x3F90] =	sst s4  }
0xd: {  	[smem:$0x3F91] =	sst s5  }
0xe: {  	[smem:$0x3F92] =	sst s6  }
0xf: {  	[smem:$0x3F93] =	sst s7  }
0x10: {  	[smem:$0x3F94] =	sst s8  }
0x11: {  	[smem:$0x3F95] =	sst s9;
	s0 =	simm.s32 @!p0 $0x0  }
0x12: {  	s1 =	sld [smem:$0x3F7B];
	s0 =	simm.s32 @p0 $0x1  }
0x13: {  	[smem:$0x3F96] =	sst s0;
	s0 =	simm.s32 @!p1 $0x0  }
0x14: {  	s2 =	sld [smem:$0x3F7A];
	s0 =	simm.s32 @p1 $0x1  }
0x15: {  	[smem:$0x3F97] =	sst s0;
	s0 =	simm.s32 @!p2 $0x0  }
0x16: {  	s3 =	sld [smem:$0x3FDB];
	s0 =	simm.s32 @p2 $0x1  }
0x17: {  	s4 =	simm.s32 $0x1BF5;
	[smem:$0x3F99] =	sst s0  }
0x18: {  	s0 =	sld [smem:$0x3F7C];
	_ =	swait.ge [sflag:s4], $0x0  }
0x19: {  	s7 =	sld [smem:$0x3F7D]  }
0x1a: {  	s8 =	sadd.s32 $0xFFFFE003, lr  }
0x1b: {  	s9 =	sadd.s32 $0xFFFFFEF7, lr;
	s5 =	simm.s32 $0xFFFFFFFF;
	p2 =	slt.u32 s8, $0xFFFFF086  }
0x1c: {  	p1 =	slt.u32 s9, $0xF7A;
	s5 =	simm.s32 @!p2 $0x0  }
0x1d: {  	s5 =	simm.s32 @p1 $0x1;
	p0 =	seq.s32 s7, s2  }
0x1e: {  	s7 =	smul.u32 @!p0 $0xF7A, s2;
	p2 =	seq.s32 @!p0 s5, $0x0  }
0x1f: {  	s9 =	smul.u32 $0xF7A, s1;
	s8 =	simm.s32 @!p0 $0x1BF5;
	p2 =	por !p2, p0  }
0x20: {  	[sflag:s8] =	ssyncset.s32 @!p0 $0xFFFFF086;
	s6 =	sadd.s32 @!p0 s3, s7;
	s7 =	simm.s32 @!p0 $0x108  }
0x21: {  	s3 =	sadd.s32 s3, s9;
	s6 =	sadd.s32 @!p0 $0x88, s6;
	s7 =	simm.s32 @p2 $0x1082  }
0x22: {  	[simem:s7], [sflag:s8] =	dma.local @!p0 [hbm:s6], $0xF7A  }
0x23: {  	s9 =	sor.u32 $0xD0000000, s2;
	s6 =	simm.s32 $0x108;
	_ =	swait.ge @!p0 [sflag:s8], $0x0  }
0x24: {  	s3 =	sadd.s32 $0x88, s3;
	s6 =	simm.s32 @!p1 $0x1082;
	[sflag:s4] =	ssyncset.s32 $0xFFFFF086  }
0x25: {  	[simem:s6], [sflag:s4] =	dma.local [hbm:s3], $0xF7A  }
0x26: {  	[smem:$0x3F7D] =	sst s1;
	(tag) =	ssettag s2;
	_ =	strace s9  }
0x27: {  	s1 =	sld [smem:$0x3F8D]  }
0x28: {  	s2 =	sld [smem:$0x3F8E]  }
0x29: {  	s4 =	sld [smem:$0x3F90]  }
0x2a: {  	p0 =	seq.s32 s5, $0x0;
	s5 =	sld [smem:$0x3F91]  }
0x2b: {  	s6 =	sld [smem:$0x3F92]  }
0x2c: {  	s7 =	sld [smem:$0x3F93]  }
0x2d: {  	s3 =	simm.s32 $0x108;
	s8 =	sld [smem:$0x3F94]  }
0x2e: {  	s3 =	simm.s32 @!p0 $0x1082;
	s9 =	sld [smem:$0x3F95]  }
0x2f: {  	lr =	sadd.s32 s0, s3;
	s0 =	sld [smem:$0x3F8C]  }
0x30: {  	s3 =	sld [smem:$0x3F8F]  }
0x31: {  	[smem:$0x3F98] =	sst s10  }
0x32: {  	s10 =	sld [smem:$0x3F96];
	_ =	sdelay $0x3  }
0x33: {  	p0 =	seq.s32 s10, $0x1;
	s10 =	sld [smem:$0x3F98];
	_ =	sdelay $0x3  }
0x34: {  	[smem:$0x3F98] =	sst s10  }
0x35: {  	s10 =	sld [smem:$0x3F97];
	_ =	sdelay $0x3  }
0x36: {  	p1 =	seq.s32 s10, $0x1;
	s10 =	sld [smem:$0x3F98];
	_ =	sdelay $0x3  }
0x37: {  	[smem:$0x3F98] =	sst s10  }
0x38: {  	s10 =	sld [smem:$0x3F99]  }
0x39: {  	_ = 	snop;
	(pc) =	sbr.ind lr, $3  }
0x3a: {  	_ = 	snop  }
0x3b: {  	_ = 	snop  }
0x3c: {  	p2 =	seq.s32 s10, $0x1;
	s10 =	sld [smem:$0x3F98]  }
0x3d: {  	_ =	shalt  }
0x3e: {  	_ =	shalt  }
0x3f: {  	_ =	shalt  }
0x40: {  	_ =	shalt  }
0x41: {  	_ =	shalt  }
0x42: {  	_ =	shalt  }
0x43: {  	_ =	shalt  }
0x44: {  	_ =	shalt  }
0x45: {  	_ =	shalt  }
0x46: {  	_ =	shalt  }
0x47: {  	_ =	shalt  }
0x48: {  	_ =	shalt  }
0x49: {  	_ =	shalt  }
0x4a: {  	_ =	shalt  }
0x4b: {  	_ =	shalt  }
0x4c: {  	_ =	shalt  }
0x4d: {  	_ =	shalt  }
0x4e: {  	_ =	shalt  }
0x4f: {  	_ =	shalt  }
0x50: {  	_ =	shalt  }
0x51: {  	_ =	shalt  }
0x52: {  	_ =	shalt  }
0x53: {  	_ =	shalt  }
0x54: {  	_ =	shalt  }
0x55: {  	_ =	shalt  }
0x56: {  	_ =	shalt  }
0x57: {  	_ =	shalt  }
0x58: {  	_ =	shalt  }
0x59: {  	_ =	shalt  }
0x5a: {  	_ =	shalt  }
0x5b: {  	_ =	shalt  }
0x5c: {  	_ =	shalt  }
0x5d: {  	_ =	shalt  }
0x5e: {  	_ =	shalt  }
0x5f: {  	_ =	shalt  }
0x60: {  	_ =	shalt  }
0x61: {  	_ =	shalt  }
0x62: {  	_ =	shalt  }
0x63: {  	_ =	shalt  }
0x64: {  	_ =	shalt  }
0x65: {  	_ =	shalt  }
0x66: {  	_ =	shalt  }
0x67: {  	_ =	shalt  }
0x68: {  	_ =	shalt  }
0x69: {  	_ =	shalt  }
0x6a: {  	_ =	shalt  }
0x6b: {  	_ =	shalt  }
0x6c: {  	_ =	shalt  }
0x6d: {  	_ =	shalt  }
0x6e: {  	_ =	shalt  }
0x6f: {  	_ =	shalt  }
0x70: {  	_ =	shalt  }
0x71: {  	_ =	shalt  }
0x72: {  	_ =	shalt  }
0x73: {  	_ =	shalt  }
0x74: {  	_ =	shalt  }
0x75: {  	_ =	shalt  }
0x76: {  	_ =	shalt  }
0x77: {  	_ =	shalt  }
0x78: {  	_ =	shalt  }
0x79: {  	_ =	shalt  }
0x7a: {  	_ =	shalt  }
0x7b: {  	_ =	shalt  }
0x7c: {  	_ =	shalt  }
0x7d: {  	_ =	shalt  }
0x7e: {  	_ =	shalt  }
0x7f: {  	_ =	shalt  }
0x80: {  	_ =	shalt  }
0x81: {  	_ =	shalt  }
0x82: {  	_ =	shalt  }
0x83: {  	_ =	shalt  }
0x84: {  	_ =	shalt  }
0x85: {  	_ =	shalt  }
0x86: {  	_ =	shalt  }
0x87: {  	_ =	shalt  }
.Lfunc_end0:
.L_simem_size_0:
called_computation_lowered:
.L_overlay_start_0:
0x88: {  	s2 =	sld [smem:$0x3FD9]  }
0x89: {  	s3 =	sld [smem:$0x3FFE];
	_ =	sdelay $0x1  }
0x8a: {  	s1 =	srdreg.scid  }
0x8b: {  	s0 =	sand.u32 $0x1, s1  }
0x8c: {  	s17 =	sshll.u32 s0, $0xA;
	s2 =	sadd.s32 s3, s2  }
0x8d: {  	s2 =	sadd.s32 s2, s17  }
0x8e: {  	[smem:$0x3FA4] =	sst s2  }
0x8f: {  	_ = 	snop  }
0x90: {  	s2 =	sld [smem:$0x3FC9];
	(tm) =	ssettm $0x1  }
0x91: {  	s18 =	sld [smem:$0x3FFB];
	_ =	sdelay $0x3  }
0x92: {  	_ =	strace s18  }
0x93: {  	s3 =	sld [smem:$0x3FFC];
	_ =	sdelay $0x3  }
0x94: {  	_ =	strace s3  }
0x95: {  	s3 =	sld [smem:$0x3FFD];
	_ =	sdelay $0x3  }
0x96: {  	_ =	strace s3  }
0x97: {  	_ =	strace $0x8FFFFFFF  }
0x98: {  	s19 =	sld [smem:$0x3FDB];
	_ =	sdelay $0x1  }
0x99: {  	s4 =	simm.s32 $_scs_section_size  }
0x9a: {  	s5 =	simm.s32 $_size__tile_overlayer_lowered;
	s6 =	simm.s32 $_tile_overlayer_lowered  }
0x9b: {  	s22 =	simm.s32 $0x1BFF;
	s21 =	sshll.u32 s6, $0x1;
	s3 =	sadd.s32 s4, s19  }
0x9c: {  	s7 =	simm.s32 $0x0;
	s20 =	sshll.u32 s5, $0x1;
	s5 =	sadd.s32 s21, s3  }
0x9d: {  	[timem:s7], [sflag:s22] =	dma.local [hbm:s5], s20  }
0x9e: {  	_ =	swait.ge [sflag:s22], s20  }
0x9f: {  	s4 =	ssub.s32 $0x0, s20;
	[sflag:s22] =	ssyncset.done $0x0  }
0xa0: {  	[sflag:s22] =	ssyncadd.s32 s4;
	_ =	sdelay $0x1  }
0xa1: {  	s23 =	simm.s32 $0x1B8B  }
0xa2: {  	_ =	swait.ge [sflag:s23], $0x1  }
0xa3: {  	[sflag:s23] =	ssyncset.done $0x0  }
0xa4: {  	s25 =	simm.s32 $0x1B8E;
	s24 =	sld [smem:$0x3FFE];
	[sflag:s23] =	ssyncadd.s32 $0xFFFFFFFF  }
0xa5: {  	s26 =	simm.s32 $execute0_lowered;
	[smem:$0x3FD2] =	sst s25  }
0xa6: {  	s5 =	sshll.u32 s26, $0x1;
	_ =	strace $0x80000046;
	[dreg:$0x1] =	wrdreg $0xFFFFFFFF  }
0xa7: {  	s28 =	simm.s32 $_size_execute0_lowered;
	s3 =	sadd.s32 s3, s5;
	[dreg:$0x0] =	wrdreg $0x0  }
0xa8: {  	s5 =	sshll.u32 s28, $0x1;
	[dreg:$0x2] =	wrdreg s3  }
0xa9: {  	[dreg:$0x3] =	wrdreg s5  }
0xaa: {  	[dreg:$0x4] =	wrdreg $0xC0  }
0xab: {  	_ =	task [dreg:s7], $0x5FFFF  }
0xac: {  	[dreg:$0x1] =	wrdreg $0xFFFFFFFF  }
0xad: {  	[dreg:$0x0] =	wrdreg $0x60  }
0xae: {  	[dreg:$0x2] =	wrdreg s2  }
0xaf: {  	[dreg:$0x3] =	wrdreg s24  }
0xb0: {  	[dreg:$0x4] =	wrdreg $0x51000  }
0xb1: {  	[dreg:$0x5] =	wrdreg $0x9  }
0xb2: {  	_ =	task.clear_ibuf [dreg:s7], $0x6FFFF;
	_ =	strace $0x90000046  }
0xb3: {  	s29 =	simm.s32 $0x9;
	_ =	strace $0x80000048  }
0xb4: {  	_ =	swait.ge [sflag:s29], $0x1  }
0xb5: {  	[sflag:s29] =	ssyncadd.s32 $0xFFFFFFFF  }
0xb6: {  	_ =	strace $0x90000048  }
0xb7: {  	_ =	sfence  }
0xb8: {  	s30 =	sld [smem:$0x0];
	_ =	sdelay $0x2  }
0xb9: {  	s31 =	sshll.u32 s1, $0xD;
	s1 =	sshrl.u32 s1, $0x2  }
0xba: {  	s3 =	sand.u32 $0x4000, s31;
	s1 =	sadd.s32 s1, s30  }
0xbb: {  	s0 =	sor.u32 s3, s0;
	s1 =	sshll.u32 s1, $0x11  }
0xbc: {  	s0 =	sor.u32 s1, s0  }
0xbd: {  	s0 =	sadd.s32 $0x8F2B, s0  }
0xbe: {  	[sflag:s0] =	ssyncadd.remote.s32 $0x1  }
0xbf: {  	_ =	sfence.sel $0xFFFF  }
0xc0: {  	[dreg:$0x0] =	wrdreg $0xFFFFFFFF;
	(pc) =	sbr.abs _section_cstart, $3  }
0xc1: {  	[dreg:$0x1] =	wrdreg $0xFFFFFFFF  }
0xc2: {  	_ =	task.clear_ibuf [dreg:s7], $0x2FFFF;
	_ =	strace $0x9FFFFFFF  }
0xc3: {  	(tm) =	ssettm $0x7FFFFFFF  }
tec
execute0_lowered:
.L_overlay_start_1:
0x0: {  	(tag) =	ssettag $0x1  }
0x1: {  	s0 =	srdreg.scid;
	s2 =	rddreg [dreg:$0x0]  }
0x2: {  	s14 =	stileid.u32;
	s5 =	rddreg [dreg:$0x1]  }
0x3: {  	s3 =	rddreg [dreg:$0x2];
	s1 =	smul.u32 $0x4E20, s14  }
0x4: {  	s4 =	simm.s32 $0x0;
	s0 =	sand.u32 $0x1, s0;
	s7 =	smul.u32 $0xA000, s14  }
0x5: {  	s28 =	simm.s32 $0x50;
	s12 =	sor.u32 $0x10, s14;
	s6 =	smul.u32 $0x2710, s0  }
0x6: {  	s29 =	simm.s32 $0x100;
	s30 =	simm.s32 $0x1;
	s20 =	smul.u32 $0xA000, s12  }
0x7: {  	s22 =	sor.u32 $0x20, s14;
	s18 =	ssub.s32 $0x2, s0;
	s0 =	smul.u32 $0x138800, s0  }
0x8: {  	s31 =	simm.s32 $0x0;
	s26 =	sor.u32 $0x30, s14;
	s8 =	smul.u32 $0xA000, s22  }
0x9: {  	[smem:$0x7FF] =	sst s4;
	s15 =	sor.u32 $0x40, s14;
	s9 =	smul.u32 $0xA000, s26  }
0xa: {  	s21 =	sadd.s32 $0x19400, s5;
	s17 =	sor.u32 $0x50, s14;
	s10 =	smul.u32 $0xA000, s15  }
0xb: {  	s24 =	sor.u32 $0x70, s14;
	_ =	strace $0x80000047;
	s11 =	smul.u32 $0xA000, s17  }
0xc: {  	s16 =	smul.u32 $0xA000, s24;
	p0 =	sgt.u32 s24, $0x7C;
	s1 =	sadd.s32 s6, s1  }
0xd: {  	s19 =	sshrl.u32 s18, $0x1;
	s25 =	sshrl.u32 s7, $0x2;
	s1 =	sshrl.u32 s1, $0x3  }
0xe: {  	s6 =	sadd.s32 s25, s3;
	s8 =	sshrl.u32 s8, $0x2;
	s23 =	sadd.s32 s1, s5  }
0xf: {  	s1 =	ssub.s32 s18, s19;
	s18 =	sor.u32 $0x60, s14;
	s14 =	smul.u32 $0x2800, s14  }
0x10: {  	s9 =	sshrl.u32 s9, $0x2;
	s10 =	sshrl.u32 s10, $0x2;
	s19 =	smul.u32 $0x2800, s12  }
0x11: {  	s11 =	sshrl.u32 s11, $0x2;
	s5 =	sshrl.u32 s20, $0x2;
	s13 =	smul.u32 $0xA000, s18  }
0x12: {  	s16 =	sshrl.u32 s16, $0x2;
	s7 =	sadd.s32 s5, s3;
	s5 =	smul.u32 $0x2800, s26  }
0x13: {  	s8 =	sadd.s32 s8, s3;
	s1 =	smax.u32 s1, $0x1;
	s26 =	smul.u32 $0x2800, s17  }
0x14: {  	s9 =	sadd.s32 s9, s3;
	[dreg:$0x4] =	wrdreg s1;
	s1 =	smul.u32 $0x2800, s22  }
0x15: {  	s10 =	sadd.s32 s10, s3;
	s11 =	sadd.s32 s11, s3;
	s22 =	smul.u32 $0x2800, s15  }
0x16: {  	s14 =	sadd.s32 s0, s14;
	s20 =	sadd.s32 s0, s19;
	s15 =	smul.u32 $0x2800, s18  }
0x17: {  	s13 =	sshrl.u32 s13, $0x2;
	s14 =	sshrl.u32 s14, $0x3;
	s5 =	sadd.s32 s0, s5  }
0x18: {  	s12 =	sadd.s32 s13, s3;
	s13 =	sadd.s32 s16, s3;
	s14 =	sadd.s32 s21, s14  }
0x19: {  	s1 =	sadd.s32 s0, s1;
	s16 =	sshrl.u32 s20, $0x3;
	s5 =	sshrl.u32 s5, $0x3  }
0x1a: {  	s20 =	smul.u32 $0x2800, s24;
	s24 =	simm.s32 $0x2900;
	[dreg:$0x5] =	wrdreg s14  }
0x1b: {  	s1 =	sshrl.u32 s1, $0x3;
	s25 =	sadd.s32 s21, s16;
	s14 =	sadd.s32 s0, s22  }
0x1c: {  	s17 =	sadd.s32 s21, s5;
	[dreg:$0x6] =	wrdreg s25;
	s16 =	sadd.s32 s21, s1  }
0x1d: {  	s22 =	sshrl.u32 s14, $0x3;
	s1 =	sadd.s32 s0, s26;
	s25 =	sadd.s32 s0, s15  }
0x1e: {  	s0 =	sadd.s32 s0, s20;
	s18 =	sadd.s32 s21, s22;
	s1 =	sshrl.u32 s1, $0x3  }
0x1f: {  	s26 =	sshrl.u32 s25, $0x3;
	s0 =	sshrl.u32 s0, $0x3;
	s22 =	sadd.s32 $0x5800, s23  }
0x20: {  	s23 =	sadd.s32 $0xF600, s23;
	s25 =	simm.s32 $0x2;
	s19 =	sadd.s32 s21, s1  }
0x21: {  	v0 =	vimm.f32 $0.0e+00;
	s20 =	sadd.s32 s21, s26;
	s21 =	sadd.s32 s21, s0;
	s26 =	simm.s32 $0x80  }
.LBB2_1:
0x22: {  	s0 =	sand.u32 $0xFE00, s4  }
0x23: {  	s5 =	sand.u32 $0x70, s4;
	s0 =	sshrl.u32 s0, $0x2  }
0x24: {  	s1 =	simm.s32 $0x40;
	s5 =	sor.u32 s5, s0;
	s0 =	simm.s32 $0x0  }
.LBB2_2:
0x25: {  	p1 =	sne.s32 s1, $0x9FC0  }
0x26: {  	[tilespmem:s5+$0x2900] =	vst v0;
	s0 =	sadd.s32 $0x10, s0;
	s5 =	smov.u32 s1;
	s1 =	sadd.s32 $0x40, s1  }
.Ltmp0:
0x27: {  	(pc) =	sbr.rel @p1 .LBB2_2-.Ltmp0, $4  }
0x28: {  	_ = 	snop  }
0x29: {  	s5 =	sand.u32 $0xFE00, s5  }
0x2a: {  	s14 =	sand.u32 $0x70, s0;
	s5 =	sshrl.u32 s5, $0x2  }
0x2b: {  	s5 =	sor.u32 s14, s5  }
0x2c: {  	[tilespmem:s5+$0x2900] =	vst v0  }
0x2d: {  	[spmem:s6] =	stream.linear.scatter [tilespmem:s24], [sflag:$0x2], $0x2800, $0x38;
	[tilespmem:$0x18980] =	vst v63  }
0x2e: {  	_ =	swait.ge [sflag:s25], $0x2800  }
0x2f: {  	[sflag:s25] =	ssyncset.done $0x0  }
0x30: {  	[sflag:s25] =	ssyncadd.s32 $0xFFFFD800  }
0x31: {  	[spmem:s7] =	stream.linear.scatter [tilespmem:s24], [sflag:$0x2], $0x2800, $0x38;
	[tilespmem:$0x18980] =	vst v63  }
0x32: {  	_ =	swait.ge [sflag:s25], $0x2800  }
0x33: {  	[sflag:s25] =	ssyncset.done $0x0  }
0x34: {  	[sflag:s25] =	ssyncadd.s32 $0xFFFFD800  }
0x35: {  	[spmem:s8] =	stream.linear.scatter [tilespmem:s24], [sflag:$0x2], $0x2800, $0x38;
	[tilespmem:$0x18980] =	vst v63  }
0x36: {  	_ =	swait.ge [sflag:s25], $0x2800  }
0x37: {  	[sflag:s25] =	ssyncset.done $0x0  }
0x38: {  	[sflag:s25] =	ssyncadd.s32 $0xFFFFD800  }
0x39: {  	[spmem:s9] =	stream.linear.scatter [tilespmem:s24], [sflag:$0x2], $0x2800, $0x38;
	[tilespmem:$0x18980] =	vst v63  }
0x3a: {  	_ =	swait.ge [sflag:s25], $0x2800  }
0x3b: {  	[sflag:s25] =	ssyncset.done $0x0  }
0x3c: {  	[sflag:s25] =	ssyncadd.s32 $0xFFFFD800  }
0x3d: {  	[spmem:s10] =	stream.linear.scatter [tilespmem:s24], [sflag:$0x2], $0x2800, $0x38;
	[tilespmem:$0x18980] =	vst v63  }
0x3e: {  	_ =	swait.ge [sflag:s25], $0x2800  }
0x3f: {  	[sflag:s25] =	ssyncset.done $0x0  }
0x40: {  	[sflag:s25] =	ssyncadd.s32 $0xFFFFD800  }
0x41: {  	[spmem:s11] =	stream.linear.scatter [tilespmem:s24], [sflag:$0x2], $0x2800, $0x38;
	[tilespmem:$0x18980] =	vst v63  }
0x42: {  	_ =	swait.ge [sflag:s25], $0x2800  }
0x43: {  	[sflag:s25] =	ssyncset.done $0x0  }
0x44: {  	[sflag:s25] =	ssyncadd.s32 $0xFFFFD800  }
0x45: {  	[spmem:s12] =	stream.linear.scatter [tilespmem:s24], [sflag:$0x2], $0x2800, $0x38;
	[tilespmem:$0x18980] =	vst v63  }
0x46: {  	_ =	swait.ge [sflag:s25], $0x2800  }
0x47: {  	[sflag:s25] =	ssyncset.done $0x0  }
0x48: {  	s0 =	simm.s32 @!p0 $0x2900;
	[sflag:s25] =	ssyncadd.s32 $0xFFFFD800  }
0x49: {  	[spmem:s13] =	stream.linear.scatter @!p0 [tilespmem:s0], [sflag:$0x2], $0x2800, $0x38;
	[tilespmem:$0x18980] =	vst v63  }
0x4a: {  	s0 =	simm.s32 @!p0 $0x2  }
0x4b: {  	_ =	swait.ge @!p0 [sflag:s0], $0x2800  }
0x4c: {  	[sflag:s0] =	ssyncset.done @!p0 $0x0  }
0x4d: {  	[sflag:s0] =	ssyncadd.s32 @!p0 $0xFFFFD800  }
0x4e: {  	s14 =	sadd.s32 $0x0, s23;
	[bflag:$0x0] =	sbarrier.arrive $0xFFFF  }
0x4f: {  	[tilespmem:s4], [sflag:$0x2] =	stream.linear.gather [hbm4b:s14+s4], $0x50, $0x38;
	[tilespmem:$0x18980] =	vst v63  }
0x50: {  	_ =	swait.ge [sflag:s25], $0x50  }
0x51: {  	[sflag:s25] =	ssyncset.done $0x0  }
0x52: {  	s15 =	sadd.s32 $0x0, s22;
	[sflag:s25] =	ssyncadd.s32 $0xFFFFFFB0  }
0x53: {  	[tilespmem:s26], [sflag:$0x2] =	stream.linear.gather [hbm4b:s15+s4], $0x50, $0x38;
	[tilespmem:$0x18980] =	vst v63  }
0x54: {  	_ =	swait.ge [sflag:s25], $0x50  }
0x55: {  	[sflag:s25] =	ssyncset.done $0x0  }
0x56: {  	[sflag:s25] =	ssyncadd.s32 $0xFFFFFFB0  }
0x57: {  	[tilespmem:s29], [sflag:$0x1] =	stream.indirect.gather [hbm4b:s2+s28], $0x80, s4, s28, $0xb8;
	[tilespmem:$0x18980] =	vst v63  }
0x58: {  	_ =	swait.ge [sflag:s30], $0x2800  }
0x59: {  	[sflag:s30] =	ssyncset.done $0x0  }
0x5a: {  	[sflag:s30] =	ssyncadd.s32 $0xFFFFD800  }
0x5b: {  	[spmem:s3] =	stream.indirect.scatter.add.f32 [tilespmem:s29], [sflag:$0x2], $0x80, s26, s28, $0xb8;
	[tilespmem:$0x18980] =	vst v63  }
0x5c: {  	_ =	swait.ge [sflag:s25], $0x2800  }
0x5d: {  	s1 =	simm.s32 $0xA;
	s0 =	simm.s32 $0x14;
	[sflag:s25] =	ssyncset.done $0x0  }
.LBB2_4:
0x5e: {  	s5 =	sadd.s32 s1, s23  }
0x5f: {  	[sflag:s25] =	ssyncadd.s32 $0xFFFFD800;
	s14 =	smov.u32 s0;
	s15 =	sadd.s32 $0xA, s0  }
0x60: {  	[tilespmem:s4], [sflag:$0x2] =	stream.linear.gather [hbm4b:s5+s4], $0x50, $0x38;
	[tilespmem:$0x18980] =	vst v63  }
0x61: {  	p1 =	sne.s32 s0, $0x4D8;
	_ =	swait.ge [sflag:s25], $0x50  }
0x62: {  	[sflag:s25] =	ssyncset.done $0x0  }
0x63: {  	s0 =	sadd.s32 s1, s22;
	s1 =	smov.u32 s14;
	[sflag:s25] =	ssyncadd.s32 $0xFFFFFFB0  }
0x64: {  	[tilespmem:s26], [sflag:$0x2] =	stream.linear.gather [hbm4b:s0+s4], $0x50, $0x38;
	[tilespmem:$0x18980] =	vst v63  }
0x65: {  	_ =	swait.ge [sflag:s25], $0x50  }
0x66: {  	[sflag:s25] =	ssyncset.done $0x0  }
0x67: {  	[sflag:s25] =	ssyncadd.s32 $0xFFFFFFB0  }
0x68: {  	[tilespmem:s29], [sflag:$0x1] =	stream.indirect.gather [hbm4b:s2+s28], $0x80, s4, s28, $0xb8;
	[tilespmem:$0x18980] =	vst v63  }
0x69: {  	_ =	swait.ge [sflag:s30], $0x2800  }
.Ltmp1:
0x6a: {  	[sflag:s30] =	ssyncset.done $0x0;
	(pc) =	sbr.rel @p1 .LBB2_4-.Ltmp1, $4  }
0x6b: {  	[sflag:s30] =	ssyncadd.s32 $0xFFFFD800  }
0x6c: {  	[spmem:s3] =	stream.indirect.scatter.add.f32 [tilespmem:s29], [sflag:$0x2], $0x80, s26, s28, $0xb8;
	[tilespmem:$0x18980] =	vst v63  }
0x6d: {  	_ =	swait.ge [sflag:s25], $0x2800  }
0x6e: {  	s0 =	smov.u32 s15;
	[sflag:s25] =	ssyncset.done $0x0  }
0x6f: {  	s0 =	sadd.s32 s1, s23;
	[sflag:s25] =	ssyncadd.s32 $0xFFFFD800  }
0x70: {  	[tilespmem:s4], [sflag:$0x2] =	stream.linear.gather [hbm4b:s0+s4], $0x50, $0x38;
	[tilespmem:$0x18980] =	vst v63  }
0x71: {  	_ =	swait.ge [sflag:s25], $0x50  }
0x72: {  	[sflag:s25] =	ssyncset.done $0x0  }
0x73: {  	s5 =	sadd.s32 s1, s22;
	[sflag:s25] =	ssyncadd.s32 $0xFFFFFFB0  }
0x74: {  	[tilespmem:s26], [sflag:$0x2] =	stream.linear.gather [hbm4b:s5+s4], $0x50, $0x38;
	[tilespmem:$0x18980] =	vst v63  }
0x75: {  	_ =	swait.ge [sflag:s25], $0x50  }
0x76: {  	[sflag:s25] =	ssyncset.done $0x0  }
0x77: {  	[sflag:s25] =	ssyncadd.s32 $0xFFFFFFB0  }
0x78: {  	[tilespmem:s29], [sflag:$0x1] =	stream.indirect.gather [hbm4b:s2+s28], $0x80, s4, s28, $0xb8;
	[tilespmem:$0x18980] =	vst v63  }
0x79: {  	_ =	swait.ge [sflag:s30], $0x2800  }
0x7a: {  	[sflag:s30] =	ssyncset.done $0x0  }
0x7b: {  	[sflag:s30] =	ssyncadd.s32 $0xFFFFD800  }
0x7c: {  	[spmem:s3] =	stream.indirect.scatter.add.f32 [tilespmem:s29], [sflag:$0x2], $0x80, s26, s28, $0xb8;
	[tilespmem:$0x18980] =	vst v63  }
0x7d: {  	_ =	swait.ge [sflag:s25], $0x2800  }
0x7e: {  	[sflag:s25] =	ssyncset.done $0x0  }
0x7f: {  	s14 =	stileid.u32;
	[sflag:s25] =	ssyncadd.s32 $0xFFFFD800  }
0x80: {  	s0 =	sshll.u32 s14, $0x6;
	[bflag:$0x0] =	sbarrier.arrive $0xFFFF  }
0x81: {  	s15 =	sshrl.u32 s6, $0x3;
	s0 =	sor.u32 $0x1C02, s0;
	s5 =	rddreg [dreg:$0x5]  }
0x82: {  	[hbm:s5], [sflag:s0] =	dma.local [spmem:s15], $0x500  }
0x83: {  	_ =	swait.ge [sflag:s25], $0x500  }
0x84: {  	[sflag:s25] =	ssyncset.done $0x0  }
0x85: {  	s14 =	sshrl.u32 s7, $0x3;
	s15 =	rddreg [dreg:$0x6];
	[sflag:s25] =	ssyncadd.s32 $0xFFFFFB00  }
0x86: {  	[hbm:s15], [sflag:s0] =	dma.local [spmem:s14], $0x500  }
0x87: {  	_ =	swait.ge [sflag:s25], $0x500  }
0x88: {  	[sflag:s25] =	ssyncset.done $0x0  }
0x89: {  	s5 =	sshrl.u32 s8, $0x3;
	[sflag:s25] =	ssyncadd.s32 $0xFFFFFB00  }
0x8a: {  	[hbm:s16], [sflag:s0] =	dma.local [spmem:s5], $0x500  }
0x8b: {  	_ =	swait.ge [sflag:s25], $0x500  }
0x8c: {  	[sflag:s25] =	ssyncset.done $0x0  }
0x8d: {  	s14 =	sshrl.u32 s9, $0x3;
	[sflag:s25] =	ssyncadd.s32 $0xFFFFFB00  }
0x8e: {  	[hbm:s17], [sflag:s0] =	dma.local [spmem:s14], $0x500  }
0x8f: {  	_ =	swait.ge [sflag:s25], $0x500  }
0x90: {  	[sflag:s25] =	ssyncset.done $0x0  }
0x91: {  	s15 =	sshrl.u32 s10, $0x3;
	[sflag:s25] =	ssyncadd.s32 $0xFFFFFB00  }
0x92: {  	[hbm:s18], [sflag:s0] =	dma.local [spmem:s15], $0x500  }
0x93: {  	_ =	swait.ge [sflag:s25], $0x500  }
0x94: {  	[sflag:s25] =	ssyncset.done $0x0  }
0x95: {  	s5 =	sshrl.u32 s11, $0x3;
	[sflag:s25] =	ssyncadd.s32 $0xFFFFFB00  }
0x96: {  	[hbm:s19], [sflag:s0] =	dma.local [spmem:s5], $0x500  }
0x97: {  	_ =	swait.ge [sflag:s25], $0x500  }
0x98: {  	[sflag:s25] =	ssyncset.done $0x0  }
0x99: {  	s14 =	sshrl.u32 s12, $0x3;
	[sflag:s25] =	ssyncadd.s32 $0xFFFFFB00  }
0x9a: {  	[hbm:s20], [sflag:s0] =	dma.local [spmem:s14], $0x500  }
0x9b: {  	_ =	swait.ge [sflag:s25], $0x500  }
0x9c: {  	[sflag:s25] =	ssyncset.done $0x0  }
0x9d: {  	s1 =	sshrl.u32 @!p0 s13, $0x3;
	[sflag:s25] =	ssyncadd.s32 $0xFFFFFB00  }
0x9e: {  	[hbm:s21], [sflag:s0] =	dma.local @!p0 [spmem:s1], $0x500  }
0x9f: {  	s0 =	simm.s32 @!p0 $0x2  }
0xa0: {  	_ =	swait.ge @!p0 [sflag:s0], $0x500  }
0xa1: {  	s31 =	sadd.s32 $0x1, s31;
	s15 =	rddreg [dreg:$0x4]  }
0xa2: {  	p1 =	sne.s32 s31, s15  }
.Ltmp2:
0xa3: {  	_ = 	snop;
	(pc) =	sbr.rel @p1 .LBB2_1-.Ltmp2, $3  }
0xa4: {  	_ =	sdelay $0x1  }
0xa5: {  	[sflag:s0] =	ssyncset.done @!p0 $0x0  }
0xa6: {  	[sflag:s0] =	ssyncadd.s32 @!p0 $0xFFFFFB00  }
0xa7: {  	_ =	sfence.sel $0x180000  }
0xa8: {  	[bflag:$0x0] =	sbarrier.arrive $0xFFFF  }
0xa9: {  	_ =	strace $0x90000047  }
0xaa: {  	s0 =	stileid.u32;
	[bflag:$0x2] =	sbarrier.arrive $0xFFFF  }
0xab: {  	p0 =	sne.s32 s0, $0x0;
	s0 =	rddreg [dreg:$0x3]  }
0xac: {  	s0 =	sadd.s32 @!p0 $0x100000, s0  }
0xad: {  	[sflag:s0] =	ssyncadd.tile.s32 @!p0 $0x1;
	_ =	shalt  }
.Lfunc_end2:
_tile_overlayer_lowered:
.L_overlay_start_2:
0xae: {  	(tag) =	ssettag $0x2  }
0xaf: {  	s0 =	rddreg [dreg:$0x0];
	s2 =	stileid.u32  }
0xb0: {  	s1 =	rddreg [dreg:$0x1];
	p0 =	sne.s32 s2, $0x0  }
0xb1: {  	s3 =	rddreg [dreg:$0x2];
	[bflag:$0x3] =	sbarrier.arrive $0xFFFF;
	s2 =	simm.s32 @!p0 $0x1C02  }
0xb2: {  	[timem:s3], [sflag:s2] =	dma.local @!p0 [hbm:s0], s1  }
0xb3: {  	s0 =	simm.s32 @!p0 $0x2  }
0xb4: {  	_ =	swait.ge @!p0 [sflag:s0], s1  }
0xb5: {  	s1 =	ssub.s32 @!p0 $0x0, s1;
	[sflag:s0] =	ssyncset.done @!p0 $0x0  }
0xb6: {  	[sflag:s0] =	ssyncadd.s32 @!p0 s1  }
0xb7: {  	[bflag:$0x3] =	sbarrier.arrive $0xFFFF  }
0xb8: {  	_ =	shalt  }

</sc_bundles>
